<compile_context>
chip_gen: v7x
topology: tpu7x:2x2x1
jax: 0.10.2.dev20260603
libtpu: 0.0.44.dev20260713+nightly
codegen_flags: <defaults>
</compile_context>

<pallas_src>
import jax
import jax.numpy as jnp
from jax import lax
from jax.experimental import pallas as pl
from jax.experimental.pallas import tpu as pltpu
from jax.experimental.pallas import tpu_sc as plsc

N = 10000
NP = 10240
D = 256
E = 160000
N_IT = 8

NC = 2
NS = 16
CH = 128
K = 80
SEGC = NS * K
HALF = NP // 2
RPT = HALF // NS
ACC = HALF + 8
GI = 8

_mesh = plsc.VectorSubcoreMesh(core_axis_name="c", subcore_axis_name="s")



def _deg_body(dst_hbm, ones_hbm, deg_out, dstv, onesv, buf, acc):
    c = lax.axis_index("c")
    s = lax.axis_index("s")
    pltpu.sync_copy(dst_hbm.at[s], dstv)
    pltpu.sync_copy(ones_hbm.at[pl.ds(0, CH)], onesv)
    for r in range(5):
        off = s * 640 + r * 128
        pltpu.sync_copy(ones_hbm.at[pl.ds(off, 128)], buf)
        pltpu.sync_copy(buf, acc.at[pl.ds(off, 128)])
    plsc.subcore_barrier()
    half = K // 2

    def body(j, carry):
        pltpu.sync_copy(onesv, acc.at[dstv.at[j]], add=True)
        return carry

    lax.fori_loop(c * half, (c + 1) * half, body, 0)
    plsc.subcore_barrier()
    for r in range(5):
        off = s * 640 + r * 128
        pltpu.sync_copy(acc.at[pl.ds(off, 128)], buf)
        pltpu.sync_copy(buf, deg_out.at[c].at[pl.ds(off, 128)])


_deg_call = pl.kernel(
    _deg_body,
    out_type=jax.ShapeDtypeStruct((NC, NP, 16), jnp.float32),
    mesh=_mesh,
    scratch_types=[
        pltpu.VMEM((K, CH), jnp.int32),
        pltpu.VMEM((CH, 16), jnp.float32),
        pltpu.VMEM((128, 16), jnp.float32),
        pltpu.VMEM_SHARED((NP, 16), jnp.float32),
    ],
)


def _make_agg_body(nch):
    def body(g_hbm, src_hbm, dst_hbm, s_out, sidx, didx, rows, acc, gsem):
        c = lax.axis_index("c")
        s = lax.axis_index("s")
        base = s * nch
        if nch > 0:
            pltpu.sync_copy(dst_hbm.at[c].at[pl.ds(base, nch)],
                            didx.at[pl.ds(0, nch)])
            pltpu.sync_copy(src_hbm.at[c].at[pl.ds(base, GI)], sidx.at[0])
        gof = c * HALF + s * RPT
        for off, sz in ((0, 128), (128, 128), (256, 64)):
            pltpu.sync_copy(g_hbm.at[pl.ds(gof + off, sz)],
                            rows.at[pl.ds(0, sz)])
            pltpu.sync_copy(rows.at[pl.ds(0, sz)],
                            acc.at[pl.ds(s * RPT + off, sz)])
        plsc.subcore_barrier()

        def group(gi, carry):
            @pl.when(gi + 1 < nch // GI)
            def _():
                pltpu.sync_copy(
                    src_hbm.at[c].at[pl.ds(base + (gi + 1) * GI, GI)],
                    sidx.at[lax.rem(gi + 1, 2)])
            slot = lax.rem(gi, 2)

            def chunk(jj, carry2):
                pltpu.async_copy(g_hbm.at[sidx.at[slot].at[jj]], rows,
                                 gsem).wait()
                pltpu.sync_copy(rows, acc.at[didx.at[gi * GI + jj]], add=True)
                return carry2

            return lax.fori_loop(0, GI, chunk, carry)

        if nch > 0:
            lax.fori_loop(0, nch // GI, group, 0)
        plsc.subcore_barrier()
        for off, sz in ((0, 128), (128, 128), (256, 64)):
            pltpu.sync_copy(acc.at[pl.ds(s * RPT + off, sz)],
                            rows.at[pl.ds(0, sz)])
            pltpu.sync_copy(rows.at[pl.ds(0, sz)],
                            s_out.at[pl.ds(gof + off, sz)])

    return body


def _make_agg_call(nch):
    return pl.kernel(
        _make_agg_body(nch),
        out_type=jax.ShapeDtypeStruct((NP, 2, 128), jnp.float32),
        mesh=_mesh,
        scratch_types=[
            pltpu.VMEM((2, GI, CH), jnp.int32),
            pltpu.VMEM((K, CH), jnp.int32),
            pltpu.VMEM((CH, 2, 128), jnp.float32),
            pltpu.VMEM_SHARED((ACC, 2, 128), jnp.float32),
            pltpu.SemaphoreType.DMA,
        ],
    )


def _agg_switch(idx, g3, srcseg, dstseg):
    branches = [
        (lambda a, b, d, _v=v: _make_agg_call(_v)(a, b, d))
        for v in range(0, K + 1, GI)
    ]
    return lax.switch(idx, branches, g3, srcseg, dstseg)



RB = 1024
GRID = NP // RB


def _t1_body(x_ref, wi_ref, wg_ref, deg_ref, inj_ref, dinv_ref, g_ref):
    deg = deg_ref[0, :, 0:1] + deg_ref[1, :, 0:1]
    dinv = lax.rsqrt(deg)
    inj = jnp.dot(x_ref[...], wi_ref[...], preferred_element_type=jnp.float32)
    z = jnp.maximum(inj, 0.0)
    g_ref[...] = dinv * jnp.dot(z, wg_ref[...],
                                preferred_element_type=jnp.float32)
    inj_ref[...] = inj
    dinv_ref[...] = dinv


def _t1_call(x, W_in, W_gcn, deg2):
    return pl.pallas_call(
        _t1_body,
        grid=(GRID,),
        in_specs=[
            pl.BlockSpec((RB, D), lambda i: (i, 0)),
            pl.BlockSpec((D, D), lambda i: (0, 0)),
            pl.BlockSpec((D, D), lambda i: (0, 0)),
            pl.BlockSpec((NC, RB, 16), lambda i: (0, i, 0)),
        ],
        out_specs=[
            pl.BlockSpec((RB, D), lambda i: (i, 0)),
            pl.BlockSpec((RB, 1), lambda i: (i, 0)),
            pl.BlockSpec((RB, D), lambda i: (i, 0)),
        ],
        out_shape=[
            jax.ShapeDtypeStruct((NP, D), jnp.float32),
            jax.ShapeDtypeStruct((NP, 1), jnp.float32),
            jax.ShapeDtypeStruct((NP, D), jnp.float32),
        ],
    )(x, W_in, W_gcn, deg2)


def _tmid_body(s_ref, inj_ref, dinv_ref, wg_ref, g_ref):
    dinv = dinv_ref[...]
    z = jnp.maximum(dinv * s_ref[...] + inj_ref[...], 0.0)
    g_ref[...] = dinv * jnp.dot(z, wg_ref[...],
                                preferred_element_type=jnp.float32)


def _tmid_call(s2, inj, dinv, W_gcn):
    return pl.pallas_call(
        _tmid_body,
        grid=(GRID,),
        in_specs=[
            pl.BlockSpec((RB, D), lambda i: (i, 0)),
            pl.BlockSpec((RB, D), lambda i: (i, 0)),
            pl.BlockSpec((RB, 1), lambda i: (i, 0)),
            pl.BlockSpec((D, D), lambda i: (0, 0)),
        ],
        out_specs=pl.BlockSpec((RB, D), lambda i: (i, 0)),
        out_shape=jax.ShapeDtypeStruct((NP, D), jnp.float32),
    )(s2, inj, dinv, W_gcn)


def _epi_body(s_ref, inj_ref, dinv_ref, x_ref, wo_ref, out_ref):
    z = jnp.maximum(dinv_ref[...] * s_ref[...] + inj_ref[...], 0.0)
    o = jnp.dot(z, wo_ref[...], preferred_element_type=jnp.float32)
    out_ref[...] = x_ref[...] + jnp.maximum(o, 0.0)


def _epi_call(s2, inj, dinv, x, W_out):
    return pl.pallas_call(
        _epi_body,
        grid=(GRID,),
        in_specs=[
            pl.BlockSpec((RB, D), lambda i: (i, 0)),
            pl.BlockSpec((RB, D), lambda i: (i, 0)),
            pl.BlockSpec((RB, 1), lambda i: (i, 0)),
            pl.BlockSpec((RB, D), lambda i: (i, 0)),
            pl.BlockSpec((D, D), lambda i: (0, 0)),
        ],
        out_specs=pl.BlockSpec((RB, D), lambda i: (i, 0)),
        out_shape=jax.ShapeDtypeStruct((NP, D), jnp.float32),
    )(s2, inj, dinv, x, W_out)



def kernel(x, edge_index, W_gcn, W_in, W_out):
    src = edge_index[0].astype(jnp.int32)
    dst = edge_index[1].astype(jnp.int32)
    pad = NS * CH * K - E
    dst_p = jnp.concatenate([dst, jnp.full((pad,), N, jnp.int32)]
                            ).reshape(NS, K, CH)
    ones16 = jnp.ones((NP, 16), jnp.float32)
    x_p = jnp.pad(x, ((0, NP - N), (0, 0)))

    key = (dst >= HALF).astype(jnp.int32)
    cum1 = jnp.cumsum(key)
    cum0 = jnp.cumsum(1 - key)
    cnt1 = cum1[-1]
    cnt0 = E - cnt1
    col = jnp.where(key == 0, cum0 - 1, cum1 - 1)
    flat = key * (SEGC * CH) + col
    srcseg = jnp.zeros((2 * SEGC * CH,), jnp.int32).at[flat].set(
        src, unique_indices=True, mode='promise_in_bounds')
    dstseg = jnp.full((2 * SEGC * CH,), HALF, jnp.int32).at[flat].set(
        dst - key * HALF, unique_indices=True, mode='promise_in_bounds')
    srcseg = srcseg.reshape(2, SEGC, CH)
    dstseg = dstseg.reshape(2, SEGC, CH)
    nch0 = (((cnt0 + NS * CH - 1) // (NS * CH)) + GI - 1) // GI * GI
    nch1 = (((cnt1 + NS * CH - 1) // (NS * CH)) + GI - 1) // GI * GI
    nidx = (jnp.maximum(nch0, nch1) // GI).astype(jnp.int32)

    deg2 = _deg_call(dst_p, ones16)
    inj, dinv, g = _t1_call(x_p, W_in, W_gcn, deg2)
    return (x_p + srcseg.sum() * 1e-20 + dstseg.sum() * 1e-20
            + nidx * 1e-20 + g * 1e-20)[:N]

# --- scband reference (transcript-rebuilt; emitter-appended) ---
"""Pipeline reference for scband-iconv-layer-21019569947060 (READ-ONLY COPY).

The authoritative reference and input builder live on the scoring server;
editing this copy changes nothing except your own understanding.
"""

import jax, jax.numpy as jnp
import numpy as np

N = 10000
E = 160000
DIN = 256
DOUT = 256
N_ITERS = 8


def gcn_conv(x, src, dst, n_nodes, W):
    # GCNConv with bias=False: linear transform then sym-normalized aggregation
    h = x @ W
    deg = jnp.zeros((n_nodes,), x.dtype).at[dst].add(1.0)
    dinv = jnp.where(deg > 0, 1.0 / jnp.sqrt(deg), 0.0)
    norm = dinv[src] * dinv[dst]
    msg = h[src] * norm[:, None]
    return jnp.zeros_like(h).at[dst].add(msg)


def setup_inputs(seed: int = 0):
    key = jax.random.key(seed)
    k1, k2, k3, k4, k5 = jax.random.split(key, 5)
    x = jax.random.normal(k1, (N, DIN), dtype=jnp.float32)
    edge_index = jax.random.randint(k2, (2, E), 0, N, dtype=jnp.int32)
    s = 1.0 / np.sqrt(DIN)
    W_gcn = jax.random.uniform(k3, (DIN, DIN), dtype=jnp.float32, minval=-s, maxval=s) * 0.5
    W_in = jax.random.uniform(k4, (DIN, DIN), dtype=jnp.float32, minval=-s, maxval=s)
    W_out = jax.random.uniform(k5, (DIN, DOUT), dtype=jnp.float32, minval=-s, maxval=s)
    return {"x": x, "edge_index": edge_index, "W_gcn": W_gcn, "W_in": W_in, "W_out": W_out}


def reference(x, edge_index, W_gcn, W_in, W_out):
    n_nodes = x.shape[0]
    loop = jnp.arange(n_nodes, dtype=edge_index.dtype)
    src = jnp.concatenate([edge_index[0], loop])
    dst = jnp.concatenate([edge_index[1], loop])
    # IGNN: implicit fixed-point layer Z = relu(GCN(Z) + X W_in), unrolled iterations
    inj = x @ W_in
    z = jnp.zeros((n_nodes, DIN), dtype=x.dtype)
    for _ in range(N_ITERS):
        z = jax.nn.relu(gcn_conv(z, src, dst, n_nodes, W_gcn) + inj)
    out = z @ W_out
    # act (ReLU) + dropout (eval: identity)
    out = jax.nn.relu(out)
    # residual
    out = x + out
    return out

if __name__ == "__main__":
    import jax
    _d = setup_inputs()
    print(jax.jit(kernel)(*tuple(_d.values())))

</pallas_src>

<mosaic_0001>
#map = affine_map<(d0, d1) -> (0, 0, 0)>
#map1 = affine_map<(d0, d1) -> (0, 0)>
module attributes {stable_mosaic.version = 14 : i64} {
  func.func @_deg_body(%arg0: i32, %arg1: i32, %arg2: memref<16x80x128xi32, #tpu.memory_space<hbm>>, %arg3: memref<10240x16xf32, #tpu.memory_space<hbm>>, %arg4: memref<2x10240x16xf32, #tpu.memory_space<hbm>>, %arg5: memref<80x128xi32, #tpu.memory_space<vmem>>, %arg6: memref<128x16xf32, #tpu.memory_space<vmem>>, %arg7: memref<128x16xf32, #tpu.memory_space<vmem>>, %arg8: memref<10240x16xf32, #tpu.memory_space<vmem_shared>>) attributes {dimension_semantics = [#tpu.dimension_semantics<core_parallel>, #tpu.dimension_semantics<subcore_parallel>], iteration_bounds = array<i64: 2, 16>, scalar_prefetch = 0 : i64, scratch_operands = 4 : i64, tpu.core_type = #tpu.core_type<sc_vector_subcore>, window_params = [{transform_indices = #map}, {transform_indices = #map1}, {transform_indices = #map}]} {
    "tpu.region"() ({
      %run_scoped3A = tpu.sem_alloc : memref<!tpu.dma_semaphore, #tpu.memory_space<semaphore_mem>>
      %dma_start3A = arith.constant 0 : i32
      %dma_start3A_53 = arith.constant 0 : i32
      %dma_start3A_54 = tpu.memref_slice %arg2[%arg1, %dma_start3A, %dma_start3A_53] : memref<16x80x128xi32, #tpu.memory_space<hbm>> -> memref<1x80x128xi32, #tpu.memory_space<hbm>>
      %dma_start3A_55 = tpu.memref_squeeze %dma_start3A_54 : memref<1x80x128xi32, #tpu.memory_space<hbm>> -> memref<80x128xi32, #tpu.memory_space<hbm>>
      %dma_start3A_56 = arith.constant 0 : i32
      %dma_start3A_57 = arith.constant 0 : i32
      %dma_start3A_58 = tpu.memref_slice %arg2[%arg1, %dma_start3A_56, %dma_start3A_57] : memref<16x80x128xi32, #tpu.memory_space<hbm>> -> memref<1x80x128xi32, #tpu.memory_space<hbm>>
      %dma_start3A_59 = tpu.memref_squeeze %dma_start3A_58 : memref<1x80x128xi32, #tpu.memory_space<hbm>> -> memref<80x128xi32, #tpu.memory_space<hbm>>
      tpu.enqueue_dma source(%dma_start3A_59 : memref<80x128xi32, #tpu.memory_space<hbm>>) target(%arg5 : memref<80x128xi32, #tpu.memory_space<vmem>>) target_semaphore(%run_scoped3A : memref<!tpu.dma_semaphore, #tpu.memory_space<semaphore_mem>>)
      %dma_wait3A = arith.constant 0 : i32
      %dma_wait3A_60 = arith.constant 0 : i32
      %dma_wait3A_61 = tpu.memref_slice %arg2[%arg1, %dma_wait3A, %dma_wait3A_60] : memref<16x80x128xi32, #tpu.memory_space<hbm>> -> memref<1x80x128xi32, #tpu.memory_space<hbm>>
      %dma_wait3A_62 = tpu.memref_squeeze %dma_wait3A_61 : memref<1x80x128xi32, #tpu.memory_space<hbm>> -> memref<80x128xi32, #tpu.memory_space<hbm>>
      %dma_wait3A_63 = arith.constant 0 : i32
      %dma_wait3A_64 = arith.constant 0 : i32
      %dma_wait3A_65 = tpu.memref_slice %arg2[%arg1, %dma_wait3A_63, %dma_wait3A_64] : memref<16x80x128xi32, #tpu.memory_space<hbm>> -> memref<1x80x128xi32, #tpu.memory_space<hbm>>
      %dma_wait3A_66 = tpu.memref_squeeze %dma_wait3A_65 : memref<1x80x128xi32, #tpu.memory_space<hbm>> -> memref<80x128xi32, #tpu.memory_space<hbm>>
      tpu.wait_dma2 semaphore(%run_scoped3A : memref<!tpu.dma_semaphore, #tpu.memory_space<semaphore_mem>>) src(%dma_wait3A_66 : memref<80x128xi32, #tpu.memory_space<hbm>>) dst(%arg5 : memref<80x128xi32, #tpu.memory_space<vmem>>)
      tpu.yield
    }) : () -> ()
    "tpu.region"() ({
      %run_scoped3A = tpu.sem_alloc : memref<!tpu.dma_semaphore, #tpu.memory_space<semaphore_mem>>
      %dma_start3A = arith.constant 0 : i32
      %dma_start3A_53 = arith.constant 0 : i32
      %dma_start3A_54 = tpu.memref_slice %arg3[%dma_start3A, %dma_start3A_53] : memref<10240x16xf32, #tpu.memory_space<hbm>> -> memref<128x16xf32, #tpu.memory_space<hbm>>
      %dma_start3A_55 = arith.constant 0 : i32
      %dma_start3A_56 = arith.constant 0 : i32
      %dma_start3A_57 = tpu.memref_slice %arg3[%dma_start3A_55, %dma_start3A_56] : memref<10240x16xf32, #tpu.memory_space<hbm>> -> memref<128x16xf32, #tpu.memory_space<hbm>>
      tpu.enqueue_dma source(%dma_start3A_57 : memref<128x16xf32, #tpu.memory_space<hbm>>) target(%arg6 : memref<128x16xf32, #tpu.memory_space<vmem>>) target_semaphore(%run_scoped3A : memref<!tpu.dma_semaphore, #tpu.memory_space<semaphore_mem>>)
      %dma_wait3A = arith.constant 0 : i32
      %dma_wait3A_58 = arith.constant 0 : i32
      %dma_wait3A_59 = tpu.memref_slice %arg3[%dma_wait3A, %dma_wait3A_58] : memref<10240x16xf32, #tpu.memory_space<hbm>> -> memref<128x16xf32, #tpu.memory_space<hbm>>
      %dma_wait3A_60 = arith.constant 0 : i32
      %dma_wait3A_61 = arith.constant 0 : i32
      %dma_wait3A_62 = tpu.memref_slice %arg3[%dma_wait3A_60, %dma_wait3A_61] : memref<10240x16xf32, #tpu.memory_space<hbm>> -> memref<128x16xf32, #tpu.memory_space<hbm>>
      tpu.wait_dma2 semaphore(%run_scoped3A : memref<!tpu.dma_semaphore, #tpu.memory_space<semaphore_mem>>) src(%dma_wait3A_62 : memref<128x16xf32, #tpu.memory_space<hbm>>) dst(%arg6 : memref<128x16xf32, #tpu.memory_space<vmem>>)
      tpu.yield
    }) : () -> ()
    %mul3A = arith.constant 640 : i32
    %mul3A_0 = arith.muli %arg1, %mul3A : i32
    %add3A = arith.constant 0 : i32
    %add3A_1 = arith.addi %mul3A_0, %add3A : i32
    "tpu.region"() ({
      %run_scoped3A = tpu.sem_alloc : memref<!tpu.dma_semaphore, #tpu.memory_space<semaphore_mem>>
      %dma_start3A = arith.constant 0 : i32
      %dma_start3A_53 = tpu.memref_slice %arg3[%add3A_1, %dma_start3A] : memref<10240x16xf32, #tpu.memory_space<hbm>> -> memref<128x16xf32, #tpu.memory_space<hbm>>
      %dma_start3A_54 = arith.constant 0 : i32
      %dma_start3A_55 = tpu.memref_slice %arg3[%add3A_1, %dma_start3A_54] : memref<10240x16xf32, #tpu.memory_space<hbm>> -> memref<128x16xf32, #tpu.memory_space<hbm>>
      tpu.enqueue_dma source(%dma_start3A_55 : memref<128x16xf32, #tpu.memory_space<hbm>>) target(%arg7 : memref<128x16xf32, #tpu.memory_space<vmem>>) target_semaphore(%run_scoped3A : memref<!tpu.dma_semaphore, #tpu.memory_space<semaphore_mem>>)
      %dma_wait3A = arith.constant 0 : i32
      %dma_wait3A_56 = tpu.memref_slice %arg3[%add3A_1, %dma_wait3A] : memref<10240x16xf32, #tpu.memory_space<hbm>> -> memref<128x16xf32, #tpu.memory_space<hbm>>
      %dma_wait3A_57 = arith.constant 0 : i32
      %dma_wait3A_58 = tpu.memref_slice %arg3[%add3A_1, %dma_wait3A_57] : memref<10240x16xf32, #tpu.memory_space<hbm>> -> memref<128x16xf32, #tpu.memory_space<hbm>>
      tpu.wait_dma2 semaphore(%run_scoped3A : memref<!tpu.dma_semaphore, #tpu.memory_space<semaphore_mem>>) src(%dma_wait3A_58 : memref<128x16xf32, #tpu.memory_space<hbm>>) dst(%arg7 : memref<128x16xf32, #tpu.memory_space<vmem>>)
      tpu.yield
    }) : () -> ()
    "tpu.region"() ({
      %run_scoped3A = tpu.sem_alloc : memref<!tpu.dma_semaphore, #tpu.memory_space<semaphore_mem>>
      %dma_start3A = arith.constant 0 : i32
      %dma_start3A_53 = tpu.memref_slice %arg8[%add3A_1, %dma_start3A] : memref<10240x16xf32, #tpu.memory_space<vmem_shared>> -> memref<128x16xf32, #tpu.memory_space<vmem_shared>>
      %dma_start3A_54 = arith.constant 0 : i32
      %dma_start3A_55 = tpu.memref_slice %arg8[%add3A_1, %dma_start3A_54] : memref<10240x16xf32, #tpu.memory_space<vmem_shared>> -> memref<128x16xf32, #tpu.memory_space<vmem_shared>>
      tpu.enqueue_dma source(%arg7 : memref<128x16xf32, #tpu.memory_space<vmem>>) target(%dma_start3A_55 : memref<128x16xf32, #tpu.memory_space<vmem_shared>>) target_semaphore(%run_scoped3A : memref<!tpu.dma_semaphore, #tpu.memory_space<semaphore_mem>>)
      %dma_wait3A = arith.constant 0 : i32
      %dma_wait3A_56 = tpu.memref_slice %arg8[%add3A_1, %dma_wait3A] : memref<10240x16xf32, #tpu.memory_space<vmem_shared>> -> memref<128x16xf32, #tpu.memory_space<vmem_shared>>
      %dma_wait3A_57 = arith.constant 0 : i32
      %dma_wait3A_58 = tpu.memref_slice %arg8[%add3A_1, %dma_wait3A_57] : memref<10240x16xf32, #tpu.memory_space<vmem_shared>> -> memref<128x16xf32, #tpu.memory_space<vmem_shared>>
      tpu.wait_dma2 semaphore(%run_scoped3A : memref<!tpu.dma_semaphore, #tpu.memory_space<semaphore_mem>>) src(%arg7 : memref<128x16xf32, #tpu.memory_space<vmem>>) dst(%dma_wait3A_58 : memref<128x16xf32, #tpu.memory_space<vmem_shared>>)
      tpu.yield
    }) : () -> ()
    %mul3A_2 = arith.constant 640 : i32
    %mul3A_3 = arith.muli %arg1, %mul3A_2 : i32
    %add3A_4 = arith.constant 128 : i32
    %add3A_5 = arith.addi %mul3A_3, %add3A_4 : i32
    "tpu.region"() ({
      %run_scoped3A = tpu.sem_alloc : memref<!tpu.dma_semaphore, #tpu.memory_space<semaphore_mem>>
      %dma_start3A = arith.constant 0 : i32
      %dma_start3A_53 = tpu.memref_slice %arg3[%add3A_5, %dma_start3A] : memref<10240x16xf32, #tpu.memory_space<hbm>> -> memref<128x16xf32, #tpu.memory_space<hbm>>
      %dma_start3A_54 = arith.constant 0 : i32
      %dma_start3A_55 = tpu.memref_slice %arg3[%add3A_5, %dma_start3A_54] : memref<10240x16xf32, #tpu.memory_space<hbm>> -> memref<128x16xf32, #tpu.memory_space<hbm>>
      tpu.enqueue_dma source(%dma_start3A_55 : memref<128x16xf32, #tpu.memory_space<hbm>>) target(%arg7 : memref<128x16xf32, #tpu.memory_space<vmem>>) target_semaphore(%run_scoped3A : memref<!tpu.dma_semaphore, #tpu.memory_space<semaphore_mem>>)
      %dma_wait3A = arith.constant 0 : i32
      %dma_wait3A_56 = tpu.memref_slice %arg3[%add3A_5, %dma_wait3A] : memref<10240x16xf32, #tpu.memory_space<hbm>> -> memref<128x16xf32, #tpu.memory_space<hbm>>
      %dma_wait3A_57 = arith.constant 0 : i32
      %dma_wait3A_58 = tpu.memref_slice %arg3[%add3A_5, %dma_wait3A_57] : memref<10240x16xf32, #tpu.memory_space<hbm>> -> memref<128x16xf32, #tpu.memory_space<hbm>>
      tpu.wait_dma2 semaphore(%run_scoped3A : memref<!tpu.dma_semaphore, #tpu.memory_space<semaphore_mem>>) src(%dma_wait3A_58 : memref<128x16xf32, #tpu.memory_space<hbm>>) dst(%arg7 : memref<128x16xf32, #tpu.memory_space<vmem>>)
      tpu.yield
    }) : () -> ()
    "tpu.region"() ({
      %run_scoped3A = tpu.sem_alloc : memref<!tpu.dma_semaphore, #tpu.memory_space<semaphore_mem>>
      %dma_start3A = arith.constant 0 : i32
      %dma_start3A_53 = tpu.memref_slice %arg8[%add3A_5, %dma_start3A] : memref<10240x16xf32, #tpu.memory_space<vmem_shared>> -> memref<128x16xf32, #tpu.memory_space<vmem_shared>>
      %dma_start3A_54 = arith.constant 0 : i32
      %dma_start3A_55 = tpu.memref_slice %arg8[%add3A_5, %dma_start3A_54] : memref<10240x16xf32, #tpu.memory_space<vmem_shared>> -> memref<128x16xf32, #tpu.memory_space<vmem_shared>>
      tpu.enqueue_dma source(%arg7 : memref<128x16xf32, #tpu.memory_space<vmem>>) target(%dma_start3A_55 : memref<128x16xf32, #tpu.memory_space<vmem_shared>>) target_semaphore(%run_scoped3A : memref<!tpu.dma_semaphore, #tpu.memory_space<semaphore_mem>>)
      %dma_wait3A = arith.constant 0 : i32
      %dma_wait3A_56 = tpu.memref_slice %arg8[%add3A_5, %dma_wait3A] : memref<10240x16xf32, #tpu.memory_space<vmem_shared>> -> memref<128x16xf32, #tpu.memory_space<vmem_shared>>
      %dma_wait3A_57 = arith.constant 0 : i32
      %dma_wait3A_58 = tpu.memref_slice %arg8[%add3A_5, %dma_wait3A_57] : memref<10240x16xf32, #tpu.memory_space<vmem_shared>> -> memref<128x16xf32, #tpu.memory_space<vmem_shared>>
      tpu.wait_dma2 semaphore(%run_scoped3A : memref<!tpu.dma_semaphore, #tpu.memory_space<semaphore_mem>>) src(%arg7 : memref<128x16xf32, #tpu.memory_space<vmem>>) dst(%dma_wait3A_58 : memref<128x16xf32, #tpu.memory_space<vmem_shared>>)
      tpu.yield
    }) : () -> ()
    %mul3A_6 = arith.constant 640 : i32
    %mul3A_7 = arith.muli %arg1, %mul3A_6 : i32
    %add3A_8 = arith.constant 256 : i32
    %add3A_9 = arith.addi %mul3A_7, %add3A_8 : i32
    "tpu.region"() ({
      %run_scoped3A = tpu.sem_alloc : memref<!tpu.dma_semaphore, #tpu.memory_space<semaphore_mem>>
      %dma_start3A = arith.constant 0 : i32
      %dma_start3A_53 = tpu.memref_slice %arg3[%add3A_9, %dma_start3A] : memref<10240x16xf32, #tpu.memory_space<hbm>> -> memref<128x16xf32, #tpu.memory_space<hbm>>
      %dma_start3A_54 = arith.constant 0 : i32
      %dma_start3A_55 = tpu.memref_slice %arg3[%add3A_9, %dma_start3A_54] : memref<10240x16xf32, #tpu.memory_space<hbm>> -> memref<128x16xf32, #tpu.memory_space<hbm>>
      tpu.enqueue_dma source(%dma_start3A_55 : memref<128x16xf32, #tpu.memory_space<hbm>>) target(%arg7 : memref<128x16xf32, #tpu.memory_space<vmem>>) target_semaphore(%run_scoped3A : memref<!tpu.dma_semaphore, #tpu.memory_space<semaphore_mem>>)
      %dma_wait3A = arith.constant 0 : i32
      %dma_wait3A_56 = tpu.memref_slice %arg3[%add3A_9, %dma_wait3A] : memref<10240x16xf32, #tpu.memory_space<hbm>> -> memref<128x16xf32, #tpu.memory_space<hbm>>
      %dma_wait3A_57 = arith.constant 0 : i32
      %dma_wait3A_58 = tpu.memref_slice %arg3[%add3A_9, %dma_wait3A_57] : memref<10240x16xf32, #tpu.memory_space<hbm>> -> memref<128x16xf32, #tpu.memory_space<hbm>>
      tpu.wait_dma2 semaphore(%run_scoped3A : memref<!tpu.dma_semaphore, #tpu.memory_space<semaphore_mem>>) src(%dma_wait3A_58 : memref<128x16xf32, #tpu.memory_space<hbm>>) dst(%arg7 : memref<128x16xf32, #tpu.memory_space<vmem>>)
      tpu.yield
    }) : () -> ()
    "tpu.region"() ({
      %run_scoped3A = tpu.sem_alloc : memref<!tpu.dma_semaphore, #tpu.memory_space<semaphore_mem>>
      %dma_start3A = arith.constant 0 : i32
      %dma_start3A_53 = tpu.memref_slice %arg8[%add3A_9, %dma_start3A] : memref<10240x16xf32, #tpu.memory_space<vmem_shared>> -> memref<128x16xf32, #tpu.memory_space<vmem_shared>>
      %dma_start3A_54 = arith.constant 0 : i32
      %dma_start3A_55 = tpu.memref_slice %arg8[%add3A_9, %dma_start3A_54] : memref<10240x16xf32, #tpu.memory_space<vmem_shared>> -> memref<128x16xf32, #tpu.memory_space<vmem_shared>>
      tpu.enqueue_dma source(%arg7 : memref<128x16xf32, #tpu.memory_space<vmem>>) target(%dma_start3A_55 : memref<128x16xf32, #tpu.memory_space<vmem_shared>>) target_semaphore(%run_scoped3A : memref<!tpu.dma_semaphore, #tpu.memory_space<semaphore_mem>>)
      %dma_wait3A = arith.constant 0 : i32
      %dma_wait3A_56 = tpu.memref_slice %arg8[%add3A_9, %dma_wait3A] : memref<10240x16xf32, #tpu.memory_space<vmem_shared>> -> memref<128x16xf32, #tpu.memory_space<vmem_shared>>
      %dma_wait3A_57 = arith.constant 0 : i32
      %dma_wait3A_58 = tpu.memref_slice %arg8[%add3A_9, %dma_wait3A_57] : memref<10240x16xf32, #tpu.memory_space<vmem_shared>> -> memref<128x16xf32, #tpu.memory_space<vmem_shared>>
      tpu.wait_dma2 semaphore(%run_scoped3A : memref<!tpu.dma_semaphore, #tpu.memory_space<semaphore_mem>>) src(%arg7 : memref<128x16xf32, #tpu.memory_space<vmem>>) dst(%dma_wait3A_58 : memref<128x16xf32, #tpu.memory_space<vmem_shared>>)
      tpu.yield
    }) : () -> ()
    %mul3A_10 = arith.constant 640 : i32
    %mul3A_11 = arith.muli %arg1, %mul3A_10 : i32
    %add3A_12 = arith.constant 384 : i32
    %add3A_13 = arith.addi %mul3A_11, %add3A_12 : i32
    "tpu.region"() ({
      %run_scoped3A = tpu.sem_alloc : memref<!tpu.dma_semaphore, #tpu.memory_space<semaphore_mem>>
      %dma_start3A = arith.constant 0 : i32
      %dma_start3A_53 = tpu.memref_slice %arg3[%add3A_13, %dma_start3A] : memref<10240x16xf32, #tpu.memory_space<hbm>> -> memref<128x16xf32, #tpu.memory_space<hbm>>
      %dma_start3A_54 = arith.constant 0 : i32
      %dma_start3A_55 = tpu.memref_slice %arg3[%add3A_13, %dma_start3A_54] : memref<10240x16xf32, #tpu.memory_space<hbm>> -> memref<128x16xf32, #tpu.memory_space<hbm>>
      tpu.enqueue_dma source(%dma_start3A_55 : memref<128x16xf32, #tpu.memory_space<hbm>>) target(%arg7 : memref<128x16xf32, #tpu.memory_space<vmem>>) target_semaphore(%run_scoped3A : memref<!tpu.dma_semaphore, #tpu.memory_space<semaphore_mem>>)
      %dma_wait3A = arith.constant 0 : i32
      %dma_wait3A_56 = tpu.memref_slice %arg3[%add3A_13, %dma_wait3A] : memref<10240x16xf32, #tpu.memory_space<hbm>> -> memref<128x16xf32, #tpu.memory_space<hbm>>
      %dma_wait3A_57 = arith.constant 0 : i32
      %dma_wait3A_58 = tpu.memref_slice %arg3[%add3A_13, %dma_wait3A_57] : memref<10240x16xf32, #tpu.memory_space<hbm>> -> memref<128x16xf32, #tpu.memory_space<hbm>>
      tpu.wait_dma2 semaphore(%run_scoped3A : memref<!tpu.dma_semaphore, #tpu.memory_space<semaphore_mem>>) src(%dma_wait3A_58 : memref<128x16xf32, #tpu.memory_space<hbm>>) dst(%arg7 : memref<128x16xf32, #tpu.memory_space<vmem>>)
      tpu.yield
    }) : () -> ()
    "tpu.region"() ({
      %run_scoped3A = tpu.sem_alloc : memref<!tpu.dma_semaphore, #tpu.memory_space<semaphore_mem>>
      %dma_start3A = arith.constant 0 : i32
      %dma_start3A_53 = tpu.memref_slice %arg8[%add3A_13, %dma_start3A] : memref<10240x16xf32, #tpu.memory_space<vmem_shared>> -> memref<128x16xf32, #tpu.memory_space<vmem_shared>>
      %dma_start3A_54 = arith.constant 0 : i32
      %dma_start3A_55 = tpu.memref_slice %arg8[%add3A_13, %dma_start3A_54] : memref<10240x16xf32, #tpu.memory_space<vmem_shared>> -> memref<128x16xf32, #tpu.memory_space<vmem_shared>>
      tpu.enqueue_dma source(%arg7 : memref<128x16xf32, #tpu.memory_space<vmem>>) target(%dma_start3A_55 : memref<128x16xf32, #tpu.memory_space<vmem_shared>>) target_semaphore(%run_scoped3A : memref<!tpu.dma_semaphore, #tpu.memory_space<semaphore_mem>>)
      %dma_wait3A = arith.constant 0 : i32
      %dma_wait3A_56 = tpu.memref_slice %arg8[%add3A_13, %dma_wait3A] : memref<10240x16xf32, #tpu.memory_space<vmem_shared>> -> memref<128x16xf32, #tpu.memory_space<vmem_shared>>
      %dma_wait3A_57 = arith.constant 0 : i32
      %dma_wait3A_58 = tpu.memref_slice %arg8[%add3A_13, %dma_wait3A_57] : memref<10240x16xf32, #tpu.memory_space<vmem_shared>> -> memref<128x16xf32, #tpu.memory_space<vmem_shared>>
      tpu.wait_dma2 semaphore(%run_scoped3A : memref<!tpu.dma_semaphore, #tpu.memory_space<semaphore_mem>>) src(%arg7 : memref<128x16xf32, #tpu.memory_space<vmem>>) dst(%dma_wait3A_58 : memref<128x16xf32, #tpu.memory_space<vmem_shared>>)
      tpu.yield
    }) : () -> ()
    %mul3A_14 = arith.constant 640 : i32
    %mul3A_15 = arith.muli %arg1, %mul3A_14 : i32
    %add3A_16 = arith.constant 512 : i32
    %add3A_17 = arith.addi %mul3A_15, %add3A_16 : i32
    "tpu.region"() ({
      %run_scoped3A = tpu.sem_alloc : memref<!tpu.dma_semaphore, #tpu.memory_space<semaphore_mem>>
      %dma_start3A = arith.constant 0 : i32
      %dma_start3A_53 = tpu.memref_slice %arg3[%add3A_17, %dma_start3A] : memref<10240x16xf32, #tpu.memory_space<hbm>> -> memref<128x16xf32, #tpu.memory_space<hbm>>
      %dma_start3A_54 = arith.constant 0 : i32
      %dma_start3A_55 = tpu.memref_slice %arg3[%add3A_17, %dma_start3A_54] : memref<10240x16xf32, #tpu.memory_space<hbm>> -> memref<128x16xf32, #tpu.memory_space<hbm>>
      tpu.enqueue_dma source(%dma_start3A_55 : memref<128x16xf32, #tpu.memory_space<hbm>>) target(%arg7 : memref<128x16xf32, #tpu.memory_space<vmem>>) target_semaphore(%run_scoped3A : memref<!tpu.dma_semaphore, #tpu.memory_space<semaphore_mem>>)
      %dma_wait3A = arith.constant 0 : i32
      %dma_wait3A_56 = tpu.memref_slice %arg3[%add3A_17, %dma_wait3A] : memref<10240x16xf32, #tpu.memory_space<hbm>> -> memref<128x16xf32, #tpu.memory_space<hbm>>
      %dma_wait3A_57 = arith.constant 0 : i32
      %dma_wait3A_58 = tpu.memref_slice %arg3[%add3A_17, %dma_wait3A_57] : memref<10240x16xf32, #tpu.memory_space<hbm>> -> memref<128x16xf32, #tpu.memory_space<hbm>>
      tpu.wait_dma2 semaphore(%run_scoped3A : memref<!tpu.dma_semaphore, #tpu.memory_space<semaphore_mem>>) src(%dma_wait3A_58 : memref<128x16xf32, #tpu.memory_space<hbm>>) dst(%arg7 : memref<128x16xf32, #tpu.memory_space<vmem>>)
      tpu.yield
    }) : () -> ()
    "tpu.region"() ({
      %run_scoped3A = tpu.sem_alloc : memref<!tpu.dma_semaphore, #tpu.memory_space<semaphore_mem>>
      %dma_start3A = arith.constant 0 : i32
      %dma_start3A_53 = tpu.memref_slice %arg8[%add3A_17, %dma_start3A] : memref<10240x16xf32, #tpu.memory_space<vmem_shared>> -> memref<128x16xf32, #tpu.memory_space<vmem_shared>>
      %dma_start3A_54 = arith.constant 0 : i32
      %dma_start3A_55 = tpu.memref_slice %arg8[%add3A_17, %dma_start3A_54] : memref<10240x16xf32, #tpu.memory_space<vmem_shared>> -> memref<128x16xf32, #tpu.memory_space<vmem_shared>>
      tpu.enqueue_dma source(%arg7 : memref<128x16xf32, #tpu.memory_space<vmem>>) target(%dma_start3A_55 : memref<128x16xf32, #tpu.memory_space<vmem_shared>>) target_semaphore(%run_scoped3A : memref<!tpu.dma_semaphore, #tpu.memory_space<semaphore_mem>>)
      %dma_wait3A = arith.constant 0 : i32
      %dma_wait3A_56 = tpu.memref_slice %arg8[%add3A_17, %dma_wait3A] : memref<10240x16xf32, #tpu.memory_space<vmem_shared>> -> memref<128x16xf32, #tpu.memory_space<vmem_shared>>
      %dma_wait3A_57 = arith.constant 0 : i32
      %dma_wait3A_58 = tpu.memref_slice %arg8[%add3A_17, %dma_wait3A_57] : memref<10240x16xf32, #tpu.memory_space<vmem_shared>> -> memref<128x16xf32, #tpu.memory_space<vmem_shared>>
      tpu.wait_dma2 semaphore(%run_scoped3A : memref<!tpu.dma_semaphore, #tpu.memory_space<semaphore_mem>>) src(%arg7 : memref<128x16xf32, #tpu.memory_space<vmem>>) dst(%dma_wait3A_58 : memref<128x16xf32, #tpu.memory_space<vmem_shared>>)
      tpu.yield
    }) : () -> ()
    %barrier3A = arith.constant 0 : index
    tpu.barrier barrier_id(%barrier3A)
    %mul3A_18 = arith.constant 40 : i32
    %mul3A_19 = arith.muli %arg0, %mul3A_18 : i32
    %add3A_20 = arith.constant 1 : i32
    %add3A_21 = arith.addi %arg0, %add3A_20 : i32
    %mul3A_22 = arith.constant 40 : i32
    %mul3A_23 = arith.muli %add3A_21, %mul3A_22 : i32
    %while3A = arith.constant 0 : i32
    %while3A_24 = arith.subi %mul3A_23, %mul3A_19 : i32
    %while3A_25 = arith.addi %mul3A_19, %while3A_24 : i32
    %while3A_26 = arith.constant 1 : i32
    %while3A_27 = arith.divsi %while3A_24, %while3A_26 : i32
    %while3A_28 = arith.muli %while3A_27, %while3A_26 : i32
    %while3A_29 = arith.addi %mul3A_19, %while3A_28 : i32
    %while3A_30 = arith.constant 1 : i32
    scf.for %while3A_53 = %mul3A_19 to %while3A_29 step %while3A_30  : i32 {
      "tpu.region"() ({
        %run_scoped3A = tpu.sem_alloc : memref<!tpu.dma_semaphore, #tpu.memory_space<semaphore_mem>>
        %dma_start3A = arith.constant 0 : i32
        %dma_start3A_54 = tpu.memref_slice %arg5[%while3A_53, %dma_start3A] : memref<80x128xi32, #tpu.memory_space<vmem>> -> memref<1x128xi32, #tpu.memory_space<vmem>>
        %dma_start3A_55 = tpu.memref_squeeze %dma_start3A_54 : memref<1x128xi32, #tpu.memory_space<vmem>> -> memref<128xi32, #tpu.memory_space<vmem>>
        %dma_start3A_56 = arith.constant 0 : i32
        %dma_start3A_57 = arith.constant 0 : i32
        %dma_start3A_58 = tpu.memref_slice %arg8[%dma_start3A_56, %dma_start3A_57] : memref<10240x16xf32, #tpu.memory_space<vmem_shared>> -> memref<10240x16xf32, #tpu.memory_space<vmem_shared>>
        tpu.enqueue_indirect_dma source(%arg6 : memref<128x16xf32, #tpu.memory_space<vmem>>) target(%dma_start3A_58 : memref<10240x16xf32, #tpu.memory_space<vmem_shared>>) offsets(%dma_start3A_55 : memref<128xi32, #tpu.memory_space<vmem>>) semaphore(%run_scoped3A : memref<!tpu.dma_semaphore, #tpu.memory_space<semaphore_mem>>) {add = true}
        %dma_wait3A = arith.constant 0 : i32
        %dma_wait3A_59 = tpu.memref_slice %arg5[%while3A_53, %dma_wait3A] : memref<80x128xi32, #tpu.memory_space<vmem>> -> memref<1x128xi32, #tpu.memory_space<vmem>>
        %dma_wait3A_60 = tpu.memref_squeeze %dma_wait3A_59 : memref<1x128xi32, #tpu.memory_space<vmem>> -> memref<128xi32, #tpu.memory_space<vmem>>
        %dma_wait3A_61 = arith.constant 0 : i32
        %dma_wait3A_62 = arith.constant 0 : i32
        %dma_wait3A_63 = tpu.memref_slice %arg8[%dma_wait3A_61, %dma_wait3A_62] : memref<10240x16xf32, #tpu.memory_space<vmem_shared>> -> memref<10240x16xf32, #tpu.memory_space<vmem_shared>>
        tpu.wait_indirect_dma semaphore(%run_scoped3A : memref<!tpu.dma_semaphore, #tpu.memory_space<semaphore_mem>>) src(%arg6 : memref<128x16xf32, #tpu.memory_space<vmem>>) dst(%dma_wait3A_63 : memref<10240x16xf32, #tpu.memory_space<vmem_shared>>)
        tpu.yield
      }) : () -> ()
    }
    %while3A_31 = arith.constant 1 : i32
    scf.for %while3A_53 = %while3A_29 to %while3A_25 step %while3A_31  : i32 {
      "tpu.region"() ({
        %run_scoped3A = tpu.sem_alloc : memref<!tpu.dma_semaphore, #tpu.memory_space<semaphore_mem>>
        %dma_start3A = arith.constant 0 : i32
        %dma_start3A_54 = tpu.memref_slice %arg5[%while3A_53, %dma_start3A] : memref<80x128xi32, #tpu.memory_space<vmem>> -> memref<1x128xi32, #tpu.memory_space<vmem>>
        %dma_start3A_55 = tpu.memref_squeeze %dma_start3A_54 : memref<1x128xi32, #tpu.memory_space<vmem>> -> memref<128xi32, #tpu.memory_space<vmem>>
        %dma_start3A_56 = arith.constant 0 : i32
        %dma_start3A_57 = arith.constant 0 : i32
        %dma_start3A_58 = tpu.memref_slice %arg8[%dma_start3A_56, %dma_start3A_57] : memref<10240x16xf32, #tpu.memory_space<vmem_shared>> -> memref<10240x16xf32, #tpu.memory_space<vmem_shared>>
        tpu.enqueue_indirect_dma source(%arg6 : memref<128x16xf32, #tpu.memory_space<vmem>>) target(%dma_start3A_58 : memref<10240x16xf32, #tpu.memory_space<vmem_shared>>) offsets(%dma_start3A_55 : memref<128xi32, #tpu.memory_space<vmem>>) semaphore(%run_scoped3A : memref<!tpu.dma_semaphore, #tpu.memory_space<semaphore_mem>>) {add = true}
        %dma_wait3A = arith.constant 0 : i32
        %dma_wait3A_59 = tpu.memref_slice %arg5[%while3A_53, %dma_wait3A] : memref<80x128xi32, #tpu.memory_space<vmem>> -> memref<1x128xi32, #tpu.memory_space<vmem>>
        %dma_wait3A_60 = tpu.memref_squeeze %dma_wait3A_59 : memref<1x128xi32, #tpu.memory_space<vmem>> -> memref<128xi32, #tpu.memory_space<vmem>>
        %dma_wait3A_61 = arith.constant 0 : i32
        %dma_wait3A_62 = arith.constant 0 : i32
        %dma_wait3A_63 = tpu.memref_slice %arg8[%dma_wait3A_61, %dma_wait3A_62] : memref<10240x16xf32, #tpu.memory_space<vmem_shared>> -> memref<10240x16xf32, #tpu.memory_space<vmem_shared>>
        tpu.wait_indirect_dma semaphore(%run_scoped3A : memref<!tpu.dma_semaphore, #tpu.memory_space<semaphore_mem>>) src(%arg6 : memref<128x16xf32, #tpu.memory_space<vmem>>) dst(%dma_wait3A_63 : memref<10240x16xf32, #tpu.memory_space<vmem_shared>>)
        tpu.yield
      }) : () -> ()
    }
    %barrier3A_32 = arith.constant 0 : index
    tpu.barrier barrier_id(%barrier3A_32)
    %mul3A_33 = arith.constant 640 : i32
    %mul3A_34 = arith.muli %arg1, %mul3A_33 : i32
    %add3A_35 = arith.constant 0 : i32
    %add3A_36 = arith.addi %mul3A_34, %add3A_35 : i32
    "tpu.region"() ({
      %run_scoped3A = tpu.sem_alloc : memref<!tpu.dma_semaphore, #tpu.memory_space<semaphore_mem>>
      %dma_start3A = arith.constant 0 : i32
      %dma_start3A_53 = tpu.memref_slice %arg8[%add3A_36, %dma_start3A] : memref<10240x16xf32, #tpu.memory_space<vmem_shared>> -> memref<128x16xf32, #tpu.memory_space<vmem_shared>>
      %dma_start3A_54 = arith.constant 0 : i32
      %dma_start3A_55 = tpu.memref_slice %arg8[%add3A_36, %dma_start3A_54] : memref<10240x16xf32, #tpu.memory_space<vmem_shared>> -> memref<128x16xf32, #tpu.memory_space<vmem_shared>>
      tpu.enqueue_dma source(%dma_start3A_55 : memref<128x16xf32, #tpu.memory_space<vmem_shared>>) target(%arg7 : memref<128x16xf32, #tpu.memory_space<vmem>>) target_semaphore(%run_scoped3A : memref<!tpu.dma_semaphore, #tpu.memory_space<semaphore_mem>>)
      %dma_wait3A = arith.constant 0 : i32
      %dma_wait3A_56 = tpu.memref_slice %arg8[%add3A_36, %dma_wait3A] : memref<10240x16xf32, #tpu.memory_space<vmem_shared>> -> memref<128x16xf32, #tpu.memory_space<vmem_shared>>
      %dma_wait3A_57 = arith.constant 0 : i32
      %dma_wait3A_58 = tpu.memref_slice %arg8[%add3A_36, %dma_wait3A_57] : memref<10240x16xf32, #tpu.memory_space<vmem_shared>> -> memref<128x16xf32, #tpu.memory_space<vmem_shared>>
      tpu.wait_dma2 semaphore(%run_scoped3A : memref<!tpu.dma_semaphore, #tpu.memory_space<semaphore_mem>>) src(%dma_wait3A_58 : memref<128x16xf32, #tpu.memory_space<vmem_shared>>) dst(%arg7 : memref<128x16xf32, #tpu.memory_space<vmem>>)
      tpu.yield
    }) : () -> ()
    "tpu.region"() ({
      %run_scoped3A = tpu.sem_alloc : memref<!tpu.dma_semaphore, #tpu.memory_space<semaphore_mem>>
      %dma_start3A = arith.constant 0 : i32
      %dma_start3A_53 = arith.constant 0 : i32
      %dma_start3A_54 = tpu.memref_slice %arg4[%arg0, %dma_start3A, %dma_start3A_53] : memref<2x10240x16xf32, #tpu.memory_space<hbm>> -> memref<1x10240x16xf32, #tpu.memory_space<hbm>>
      %dma_start3A_55 = tpu.memref_squeeze %dma_start3A_54 : memref<1x10240x16xf32, #tpu.memory_space<hbm>> -> memref<10240x16xf32, #tpu.memory_space<hbm>>
      %dma_start3A_56 = arith.constant 0 : i32
      %dma_start3A_57 = tpu.memref_slice %dma_start3A_55[%add3A_36, %dma_start3A_56] : memref<10240x16xf32, #tpu.memory_space<hbm>> -> memref<128x16xf32, #tpu.memory_space<hbm>>
      %dma_start3A_58 = arith.constant 0 : i32
      %dma_start3A_59 = arith.constant 0 : i32
      %dma_start3A_60 = tpu.memref_slice %arg4[%arg0, %dma_start3A_58, %dma_start3A_59] : memref<2x10240x16xf32, #tpu.memory_space<hbm>> -> memref<1x10240x16xf32, #tpu.memory_space<hbm>>
      %dma_start3A_61 = tpu.memref_squeeze %dma_start3A_60 : memref<1x10240x16xf32, #tpu.memory_space<hbm>> -> memref<10240x16xf32, #tpu.memory_space<hbm>>
      %dma_start3A_62 = arith.constant 0 : i32
      %dma_start3A_63 = tpu.memref_slice %dma_start3A_61[%add3A_36, %dma_start3A_62] : memref<10240x16xf32, #tpu.memory_space<hbm>> -> memref<128x16xf32, #tpu.memory_space<hbm>>
      tpu.enqueue_dma source(%arg7 : memref<128x16xf32, #tpu.memory_space<vmem>>) target(%dma_start3A_63 : memref<128x16xf32, #tpu.memory_space<hbm>>) target_semaphore(%run_scoped3A : memref<!tpu.dma_semaphore, #tpu.memory_space<semaphore_mem>>)
      %dma_wait3A = arith.constant 0 : i32
      %dma_wait3A_64 = arith.constant 0 : i32
      %dma_wait3A_65 = tpu.memref_slice %arg4[%arg0, %dma_wait3A, %dma_wait3A_64] : memref<2x10240x16xf32, #tpu.memory_space<hbm>> -> memref<1x10240x16xf32, #tpu.memory_space<hbm>>
      %dma_wait3A_66 = tpu.memref_squeeze %dma_wait3A_65 : memref<1x10240x16xf32, #tpu.memory_space<hbm>> -> memref<10240x16xf32, #tpu.memory_space<hbm>>
      %dma_wait3A_67 = arith.constant 0 : i32
      %dma_wait3A_68 = tpu.memref_slice %dma_wait3A_66[%add3A_36, %dma_wait3A_67] : memref<10240x16xf32, #tpu.memory_space<hbm>> -> memref<128x16xf32, #tpu.memory_space<hbm>>
      %dma_wait3A_69 = arith.constant 0 : i32
      %dma_wait3A_70 = arith.constant 0 : i32
      %dma_wait3A_71 = tpu.memref_slice %arg4[%arg0, %dma_wait3A_69, %dma_wait3A_70] : memref<2x10240x16xf32, #tpu.memory_space<hbm>> -> memref<1x10240x16xf32, #tpu.memory_space<hbm>>
      %dma_wait3A_72 = tpu.memref_squeeze %dma_wait3A_71 : memref<1x10240x16xf32, #tpu.memory_space<hbm>> -> memref<10240x16xf32, #tpu.memory_space<hbm>>
      %dma_wait3A_73 = arith.constant 0 : i32
      %dma_wait3A_74 = tpu.memref_slice %dma_wait3A_72[%add3A_36, %dma_wait3A_73] : memref<10240x16xf32, #tpu.memory_space<hbm>> -> memref<128x16xf32, #tpu.memory_space<hbm>>
      tpu.wait_dma2 semaphore(%run_scoped3A : memref<!tpu.dma_semaphore, #tpu.memory_space<semaphore_mem>>) src(%arg7 : memref<128x16xf32, #tpu.memory_space<vmem>>) dst(%dma_wait3A_74 : memref<128x16xf32, #tpu.memory_space<hbm>>)
      tpu.yield
    }) : () -> ()
    %mul3A_37 = arith.constant 640 : i32
    %mul3A_38 = arith.muli %arg1, %mul3A_37 : i32
    %add3A_39 = arith.constant 128 : i32
    %add3A_40 = arith.addi %mul3A_38, %add3A_39 : i32
    "tpu.region"() ({
      %run_scoped3A = tpu.sem_alloc : memref<!tpu.dma_semaphore, #tpu.memory_space<semaphore_mem>>
      %dma_start3A = arith.constant 0 : i32
      %dma_start3A_53 = tpu.memref_slice %arg8[%add3A_40, %dma_start3A] : memref<10240x16xf32, #tpu.memory_space<vmem_shared>> -> memref<128x16xf32, #tpu.memory_space<vmem_shared>>
      %dma_start3A_54 = arith.constant 0 : i32
      %dma_start3A_55 = tpu.memref_slice %arg8[%add3A_40, %dma_start3A_54] : memref<10240x16xf32, #tpu.memory_space<vmem_shared>> -> memref<128x16xf32, #tpu.memory_space<vmem_shared>>
      tpu.enqueue_dma source(%dma_start3A_55 : memref<128x16xf32, #tpu.memory_space<vmem_shared>>) target(%arg7 : memref<128x16xf32, #tpu.memory_space<vmem>>) target_semaphore(%run_scoped3A : memref<!tpu.dma_semaphore, #tpu.memory_space<semaphore_mem>>)
      %dma_wait3A = arith.constant 0 : i32
      %dma_wait3A_56 = tpu.memref_slice %arg8[%add3A_40, %dma_wait3A] : memref<10240x16xf32, #tpu.memory_space<vmem_shared>> -> memref<128x16xf32, #tpu.memory_space<vmem_shared>>
      %dma_wait3A_57 = arith.constant 0 : i32
      %dma_wait3A_58 = tpu.memref_slice %arg8[%add3A_40, %dma_wait3A_57] : memref<10240x16xf32, #tpu.memory_space<vmem_shared>> -> memref<128x16xf32, #tpu.memory_space<vmem_shared>>
      tpu.wait_dma2 semaphore(%run_scoped3A : memref<!tpu.dma_semaphore, #tpu.memory_space<semaphore_mem>>) src(%dma_wait3A_58 : memref<128x16xf32, #tpu.memory_space<vmem_shared>>) dst(%arg7 : memref<128x16xf32, #tpu.memory_space<vmem>>)
      tpu.yield
    }) : () -> ()
    "tpu.region"() ({
      %run_scoped3A = tpu.sem_alloc : memref<!tpu.dma_semaphore, #tpu.memory_space<semaphore_mem>>
      %dma_start3A = arith.constant 0 : i32
      %dma_start3A_53 = arith.constant 0 : i32
      %dma_start3A_54 = tpu.memref_slice %arg4[%arg0, %dma_start3A, %dma_start3A_53] : memref<2x10240x16xf32, #tpu.memory_space<hbm>> -> memref<1x10240x16xf32, #tpu.memory_space<hbm>>
      %dma_start3A_55 = tpu.memref_squeeze %dma_start3A_54 : memref<1x10240x16xf32, #tpu.memory_space<hbm>> -> memref<10240x16xf32, #tpu.memory_space<hbm>>
      %dma_start3A_56 = arith.constant 0 : i32
      %dma_start3A_57 = tpu.memref_slice %dma_start3A_55[%add3A_40, %dma_start3A_56] : memref<10240x16xf32, #tpu.memory_space<hbm>> -> memref<128x16xf32, #tpu.memory_space<hbm>>
      %dma_start3A_58 = arith.constant 0 : i32
      %dma_start3A_59 = arith.constant 0 : i32
      %dma_start3A_60 = tpu.memref_slice %arg4[%arg0, %dma_start3A_58, %dma_start3A_59] : memref<2x10240x16xf32, #tpu.memory_space<hbm>> -> memref<1x10240x16xf32, #tpu.memory_space<hbm>>
      %dma_start3A_61 = tpu.memref_squeeze %dma_start3A_60 : memref<1x10240x16xf32, #tpu.memory_space<hbm>> -> memref<10240x16xf32, #tpu.memory_space<hbm>>
      %dma_start3A_62 = arith.constant 0 : i32
      %dma_start3A_63 = tpu.memref_slice %dma_start3A_61[%add3A_40, %dma_start3A_62] : memref<10240x16xf32, #tpu.memory_space<hbm>> -> memref<128x16xf32, #tpu.memory_space<hbm>>
      tpu.enqueue_dma source(%arg7 : memref<128x16xf32, #tpu.memory_space<vmem>>) target(%dma_start3A_63 : memref<128x16xf32, #tpu.memory_space<hbm>>) target_semaphore(%run_scoped3A : memref<!tpu.dma_semaphore, #tpu.memory_space<semaphore_mem>>)
      %dma_wait3A = arith.constant 0 : i32
      %dma_wait3A_64 = arith.constant 0 : i32
      %dma_wait3A_65 = tpu.memref_slice %arg4[%arg0, %dma_wait3A, %dma_wait3A_64] : memref<2x10240x16xf32, #tpu.memory_space<hbm>> -> memref<1x10240x16xf32, #tpu.memory_space<hbm>>
      %dma_wait3A_66 = tpu.memref_squeeze %dma_wait3A_65 : memref<1x10240x16xf32, #tpu.memory_space<hbm>> -> memref<10240x16xf32, #tpu.memory_space<hbm>>
      %dma_wait3A_67 = arith.constant 0 : i32
      %dma_wait3A_68 = tpu.memref_slice %dma_wait3A_66[%add3A_40, %dma_wait3A_67] : memref<10240x16xf32, #tpu.memory_space<hbm>> -> memref<128x16xf32, #tpu.memory_space<hbm>>
      %dma_wait3A_69 = arith.constant 0 : i32
      %dma_wait3A_70 = arith.constant 0 : i32
      %dma_wait3A_71 = tpu.memref_slice %arg4[%arg0, %dma_wait3A_69, %dma_wait3A_70] : memref<2x10240x16xf32, #tpu.memory_space<hbm>> -> memref<1x10240x16xf32, #tpu.memory_space<hbm>>
      %dma_wait3A_72 = tpu.memref_squeeze %dma_wait3A_71 : memref<1x10240x16xf32, #tpu.memory_space<hbm>> -> memref<10240x16xf32, #tpu.memory_space<hbm>>
      %dma_wait3A_73 = arith.constant 0 : i32
      %dma_wait3A_74 = tpu.memref_slice %dma_wait3A_72[%add3A_40, %dma_wait3A_73] : memref<10240x16xf32, #tpu.memory_space<hbm>> -> memref<128x16xf32, #tpu.memory_space<hbm>>
      tpu.wait_dma2 semaphore(%run_scoped3A : memref<!tpu.dma_semaphore, #tpu.memory_space<semaphore_mem>>) src(%arg7 : memref<128x16xf32, #tpu.memory_space<vmem>>) dst(%dma_wait3A_74 : memref<128x16xf32, #tpu.memory_space<hbm>>)
      tpu.yield
    }) : () -> ()
    %mul3A_41 = arith.constant 640 : i32
    %mul3A_42 = arith.muli %arg1, %mul3A_41 : i32
    %add3A_43 = arith.constant 256 : i32
    %add3A_44 = arith.addi %mul3A_42, %add3A_43 : i32
    "tpu.region"() ({
      %run_scoped3A = tpu.sem_alloc : memref<!tpu.dma_semaphore, #tpu.memory_space<semaphore_mem>>
      %dma_start3A = arith.constant 0 : i32
      %dma_start3A_53 = tpu.memref_slice %arg8[%add3A_44, %dma_start3A] : memref<10240x16xf32, #tpu.memory_space<vmem_shared>> -> memref<128x16xf32, #tpu.memory_space<vmem_shared>>
      %dma_start3A_54 = arith.constant 0 : i32
      %dma_start3A_55 = tpu.memref_slice %arg8[%add3A_44, %dma_start3A_54] : memref<10240x16xf32, #tpu.memory_space<vmem_shared>> -> memref<128x16xf32, #tpu.memory_space<vmem_shared>>
      tpu.enqueue_dma source(%dma_start3A_55 : memref<128x16xf32, #tpu.memory_space<vmem_shared>>) target(%arg7 : memref<128x16xf32, #tpu.memory_space<vmem>>) target_semaphore(%run_scoped3A : memref<!tpu.dma_semaphore, #tpu.memory_space<semaphore_mem>>)
      %dma_wait3A = arith.constant 0 : i32
      %dma_wait3A_56 = tpu.memref_slice %arg8[%add3A_44, %dma_wait3A] : memref<10240x16xf32, #tpu.memory_space<vmem_shared>> -> memref<128x16xf32, #tpu.memory_space<vmem_shared>>
      %dma_wait3A_57 = arith.constant 0 : i32
      %dma_wait3A_58 = tpu.memref_slice %arg8[%add3A_44, %dma_wait3A_57] : memref<10240x16xf32, #tpu.memory_space<vmem_shared>> -> memref<128x16xf32, #tpu.memory_space<vmem_shared>>
      tpu.wait_dma2 semaphore(%run_scoped3A : memref<!tpu.dma_semaphore, #tpu.memory_space<semaphore_mem>>) src(%dma_wait3A_58 : memref<128x16xf32, #tpu.memory_space<vmem_shared>>) dst(%arg7 : memref<128x16xf32, #tpu.memory_space<vmem>>)
      tpu.yield
    }) : () -> ()
    "tpu.region"() ({
      %run_scoped3A = tpu.sem_alloc : memref<!tpu.dma_semaphore, #tpu.memory_space<semaphore_mem>>
      %dma_start3A = arith.constant 0 : i32
      %dma_start3A_53 = arith.constant 0 : i32
      %dma_start3A_54 = tpu.memref_slice %arg4[%arg0, %dma_start3A, %dma_start3A_53] : memref<2x10240x16xf32, #tpu.memory_space<hbm>> -> memref<1x10240x16xf32, #tpu.memory_space<hbm>>
      %dma_start3A_55 = tpu.memref_squeeze %dma_start3A_54 : memref<1x10240x16xf32, #tpu.memory_space<hbm>> -> memref<10240x16xf32, #tpu.memory_space<hbm>>
      %dma_start3A_56 = arith.constant 0 : i32
      %dma_start3A_57 = tpu.memref_slice %dma_start3A_55[%add3A_44, %dma_start3A_56] : memref<10240x16xf32, #tpu.memory_space<hbm>> -> memref<128x16xf32, #tpu.memory_space<hbm>>
      %dma_start3A_58 = arith.constant 0 : i32
      %dma_start3A_59 = arith.constant 0 : i32
      %dma_start3A_60 = tpu.memref_slice %arg4[%arg0, %dma_start3A_58, %dma_start3A_59] : memref<2x10240x16xf32, #tpu.memory_space<hbm>> -> memref<1x10240x16xf32, #tpu.memory_space<hbm>>
      %dma_start3A_61 = tpu.memref_squeeze %dma_start3A_60 : memref<1x10240x16xf32, #tpu.memory_space<hbm>> -> memref<10240x16xf32, #tpu.memory_space<hbm>>
      %dma_start3A_62 = arith.constant 0 : i32
      %dma_start3A_63 = tpu.memref_slice %dma_start3A_61[%add3A_44, %dma_start3A_62] : memref<10240x16xf32, #tpu.memory_space<hbm>> -> memref<128x16xf32, #tpu.memory_space<hbm>>
      tpu.enqueue_dma source(%arg7 : memref<128x16xf32, #tpu.memory_space<vmem>>) target(%dma_start3A_63 : memref<128x16xf32, #tpu.memory_space<hbm>>) target_semaphore(%run_scoped3A : memref<!tpu.dma_semaphore, #tpu.memory_space<semaphore_mem>>)
      %dma_wait3A = arith.constant 0 : i32
      %dma_wait3A_64 = arith.constant 0 : i32
      %dma_wait3A_65 = tpu.memref_slice %arg4[%arg0, %dma_wait3A, %dma_wait3A_64] : memref<2x10240x16xf32, #tpu.memory_space<hbm>> -> memref<1x10240x16xf32, #tpu.memory_space<hbm>>
      %dma_wait3A_66 = tpu.memref_squeeze %dma_wait3A_65 : memref<1x10240x16xf32, #tpu.memory_space<hbm>> -> memref<10240x16xf32, #tpu.memory_space<hbm>>
      %dma_wait3A_67 = arith.constant 0 : i32
      %dma_wait3A_68 = tpu.memref_slice %dma_wait3A_66[%add3A_44, %dma_wait3A_67] : memref<10240x16xf32, #tpu.memory_space<hbm>> -> memref<128x16xf32, #tpu.memory_space<hbm>>
      %dma_wait3A_69 = arith.constant 0 : i32
      %dma_wait3A_70 = arith.constant 0 : i32
      %dma_wait3A_71 = tpu.memref_slice %arg4[%arg0, %dma_wait3A_69, %dma_wait3A_70] : memref<2x10240x16xf32, #tpu.memory_space<hbm>> -> memref<1x10240x16xf32, #tpu.memory_space<hbm>>
      %dma_wait3A_72 = tpu.memref_squeeze %dma_wait3A_71 : memref<1x10240x16xf32, #tpu.memory_space<hbm>> -> memref<10240x16xf32, #tpu.memory_space<hbm>>
      %dma_wait3A_73 = arith.constant 0 : i32
      %dma_wait3A_74 = tpu.memref_slice %dma_wait3A_72[%add3A_44, %dma_wait3A_73] : memref<10240x16xf32, #tpu.memory_space<hbm>> -> memref<128x16xf32, #tpu.memory_space<hbm>>
      tpu.wait_dma2 semaphore(%run_scoped3A : memref<!tpu.dma_semaphore, #tpu.memory_space<semaphore_mem>>) src(%arg7 : memref<128x16xf32, #tpu.memory_space<vmem>>) dst(%dma_wait3A_74 : memref<128x16xf32, #tpu.memory_space<hbm>>)
      tpu.yield
    }) : () -> ()
    %mul3A_45 = arith.constant 640 : i32
    %mul3A_46 = arith.muli %arg1, %mul3A_45 : i32
    %add3A_47 = arith.constant 384 : i32
    %add3A_48 = arith.addi %mul3A_46, %add3A_47 : i32
    "tpu.region"() ({
      %run_scoped3A = tpu.sem_alloc : memref<!tpu.dma_semaphore, #tpu.memory_space<semaphore_mem>>
      %dma_start3A = arith.constant 0 : i32
      %dma_start3A_53 = tpu.memref_slice %arg8[%add3A_48, %dma_start3A] : memref<10240x16xf32, #tpu.memory_space<vmem_shared>> -> memref<128x16xf32, #tpu.memory_space<vmem_shared>>
      %dma_start3A_54 = arith.constant 0 : i32
      %dma_start3A_55 = tpu.memref_slice %arg8[%add3A_48, %dma_start3A_54] : memref<10240x16xf32, #tpu.memory_space<vmem_shared>> -> memref<128x16xf32, #tpu.memory_space<vmem_shared>>
      tpu.enqueue_dma source(%dma_start3A_55 : memref<128x16xf32, #tpu.memory_space<vmem_shared>>) target(%arg7 : memref<128x16xf32, #tpu.memory_space<vmem>>) target_semaphore(%run_scoped3A : memref<!tpu.dma_semaphore, #tpu.memory_space<semaphore_mem>>)
      %dma_wait3A = arith.constant 0 : i32
      %dma_wait3A_56 = tpu.memref_slice %arg8[%add3A_48, %dma_wait3A] : memref<10240x16xf32, #tpu.memory_space<vmem_shared>> -> memref<128x16xf32, #tpu.memory_space<vmem_shared>>
      %dma_wait3A_57 = arith.constant 0 : i32
      %dma_wait3A_58 = tpu.memref_slice %arg8[%add3A_48, %dma_wait3A_57] : memref<10240x16xf32, #tpu.memory_space<vmem_shared>> -> memref<128x16xf32, #tpu.memory_space<vmem_shared>>
      tpu.wait_dma2 semaphore(%run_scoped3A : memref<!tpu.dma_semaphore, #tpu.memory_space<semaphore_mem>>) src(%dma_wait3A_58 : memref<128x16xf32, #tpu.memory_space<vmem_shared>>) dst(%arg7 : memref<128x16xf32, #tpu.memory_space<vmem>>)
      tpu.yield
    }) : () -> ()
    "tpu.region"() ({
      %run_scoped3A = tpu.sem_alloc : memref<!tpu.dma_semaphore, #tpu.memory_space<semaphore_mem>>
      %dma_start3A = arith.constant 0 : i32
      %dma_start3A_53 = arith.constant 0 : i32
      %dma_start3A_54 = tpu.memref_slice %arg4[%arg0, %dma_start3A, %dma_start3A_53] : memref<2x10240x16xf32, #tpu.memory_space<hbm>> -> memref<1x10240x16xf32, #tpu.memory_space<hbm>>
      %dma_start3A_55 = tpu.memref_squeeze %dma_start3A_54 : memref<1x10240x16xf32, #tpu.memory_space<hbm>> -> memref<10240x16xf32, #tpu.memory_space<hbm>>
      %dma_start3A_56 = arith.constant 0 : i32
      %dma_start3A_57 = tpu.memref_slice %dma_start3A_55[%add3A_48, %dma_start3A_56] : memref<10240x16xf32, #tpu.memory_space<hbm>> -> memref<128x16xf32, #tpu.memory_space<hbm>>
      %dma_start3A_58 = arith.constant 0 : i32
      %dma_start3A_59 = arith.constant 0 : i32
      %dma_start3A_60 = tpu.memref_slice %arg4[%arg0, %dma_start3A_58, %dma_start3A_59] : memref<2x10240x16xf32, #tpu.memory_space<hbm>> -> memref<1x10240x16xf32, #tpu.memory_space<hbm>>
      %dma_start3A_61 = tpu.memref_squeeze %dma_start3A_60 : memref<1x10240x16xf32, #tpu.memory_space<hbm>> -> memref<10240x16xf32, #tpu.memory_space<hbm>>
      %dma_start3A_62 = arith.constant 0 : i32
      %dma_start3A_63 = tpu.memref_slice %dma_start3A_61[%add3A_48, %dma_start3A_62] : memref<10240x16xf32, #tpu.memory_space<hbm>> -> memref<128x16xf32, #tpu.memory_space<hbm>>
      tpu.enqueue_dma source(%arg7 : memref<128x16xf32, #tpu.memory_space<vmem>>) target(%dma_start3A_63 : memref<128x16xf32, #tpu.memory_space<hbm>>) target_semaphore(%run_scoped3A : memref<!tpu.dma_semaphore, #tpu.memory_space<semaphore_mem>>)
      %dma_wait3A = arith.constant 0 : i32
      %dma_wait3A_64 = arith.constant 0 : i32
      %dma_wait3A_65 = tpu.memref_slice %arg4[%arg0, %dma_wait3A, %dma_wait3A_64] : memref<2x10240x16xf32, #tpu.memory_space<hbm>> -> memref<1x10240x16xf32, #tpu.memory_space<hbm>>
      %dma_wait3A_66 = tpu.memref_squeeze %dma_wait3A_65 : memref<1x10240x16xf32, #tpu.memory_space<hbm>> -> memref<10240x16xf32, #tpu.memory_space<hbm>>
      %dma_wait3A_67 = arith.constant 0 : i32
      %dma_wait3A_68 = tpu.memref_slice %dma_wait3A_66[%add3A_48, %dma_wait3A_67] : memref<10240x16xf32, #tpu.memory_space<hbm>> -> memref<128x16xf32, #tpu.memory_space<hbm>>
      %dma_wait3A_69 = arith.constant 0 : i32
      %dma_wait3A_70 = arith.constant 0 : i32
      %dma_wait3A_71 = tpu.memref_slice %arg4[%arg0, %dma_wait3A_69, %dma_wait3A_70] : memref<2x10240x16xf32, #tpu.memory_space<hbm>> -> memref<1x10240x16xf32, #tpu.memory_space<hbm>>
      %dma_wait3A_72 = tpu.memref_squeeze %dma_wait3A_71 : memref<1x10240x16xf32, #tpu.memory_space<hbm>> -> memref<10240x16xf32, #tpu.memory_space<hbm>>
      %dma_wait3A_73 = arith.constant 0 : i32
      %dma_wait3A_74 = tpu.memref_slice %dma_wait3A_72[%add3A_48, %dma_wait3A_73] : memref<10240x16xf32, #tpu.memory_space<hbm>> -> memref<128x16xf32, #tpu.memory_space<hbm>>
      tpu.wait_dma2 semaphore(%run_scoped3A : memref<!tpu.dma_semaphore, #tpu.memory_space<semaphore_mem>>) src(%arg7 : memref<128x16xf32, #tpu.memory_space<vmem>>) dst(%dma_wait3A_74 : memref<128x16xf32, #tpu.memory_space<hbm>>)
      tpu.yield
    }) : () -> ()
    %mul3A_49 = arith.constant 640 : i32
    %mul3A_50 = arith.muli %arg1, %mul3A_49 : i32
    %add3A_51 = arith.constant 512 : i32
    %add3A_52 = arith.addi %mul3A_50, %add3A_51 : i32
    "tpu.region"() ({
      %run_scoped3A = tpu.sem_alloc : memref<!tpu.dma_semaphore, #tpu.memory_space<semaphore_mem>>
      %dma_start3A = arith.constant 0 : i32
      %dma_start3A_53 = tpu.memref_slice %arg8[%add3A_52, %dma_start3A] : memref<10240x16xf32, #tpu.memory_space<vmem_shared>> -> memref<128x16xf32, #tpu.memory_space<vmem_shared>>
      %dma_start3A_54 = arith.constant 0 : i32
      %dma_start3A_55 = tpu.memref_slice %arg8[%add3A_52, %dma_start3A_54] : memref<10240x16xf32, #tpu.memory_space<vmem_shared>> -> memref<128x16xf32, #tpu.memory_space<vmem_shared>>
      tpu.enqueue_dma source(%dma_start3A_55 : memref<128x16xf32, #tpu.memory_space<vmem_shared>>) target(%arg7 : memref<128x16xf32, #tpu.memory_space<vmem>>) target_semaphore(%run_scoped3A : memref<!tpu.dma_semaphore, #tpu.memory_space<semaphore_mem>>)
      %dma_wait3A = arith.constant 0 : i32
      %dma_wait3A_56 = tpu.memref_slice %arg8[%add3A_52, %dma_wait3A] : memref<10240x16xf32, #tpu.memory_space<vmem_shared>> -> memref<128x16xf32, #tpu.memory_space<vmem_shared>>
      %dma_wait3A_57 = arith.constant 0 : i32
      %dma_wait3A_58 = tpu.memref_slice %arg8[%add3A_52, %dma_wait3A_57] : memref<10240x16xf32, #tpu.memory_space<vmem_shared>> -> memref<128x16xf32, #tpu.memory_space<vmem_shared>>
      tpu.wait_dma2 semaphore(%run_scoped3A : memref<!tpu.dma_semaphore, #tpu.memory_space<semaphore_mem>>) src(%dma_wait3A_58 : memref<128x16xf32, #tpu.memory_space<vmem_shared>>) dst(%arg7 : memref<128x16xf32, #tpu.memory_space<vmem>>)
      tpu.yield
    }) : () -> ()
    "tpu.region"() ({
      %run_scoped3A = tpu.sem_alloc : memref<!tpu.dma_semaphore, #tpu.memory_space<semaphore_mem>>
      %dma_start3A = arith.constant 0 : i32
      %dma_start3A_53 = arith.constant 0 : i32
      %dma_start3A_54 = tpu.memref_slice %arg4[%arg0, %dma_start3A, %dma_start3A_53] : memref<2x10240x16xf32, #tpu.memory_space<hbm>> -> memref<1x10240x16xf32, #tpu.memory_space<hbm>>
      %dma_start3A_55 = tpu.memref_squeeze %dma_start3A_54 : memref<1x10240x16xf32, #tpu.memory_space<hbm>> -> memref<10240x16xf32, #tpu.memory_space<hbm>>
      %dma_start3A_56 = arith.constant 0 : i32
      %dma_start3A_57 = tpu.memref_slice %dma_start3A_55[%add3A_52, %dma_start3A_56] : memref<10240x16xf32, #tpu.memory_space<hbm>> -> memref<128x16xf32, #tpu.memory_space<hbm>>
      %dma_start3A_58 = arith.constant 0 : i32
      %dma_start3A_59 = arith.constant 0 : i32
      %dma_start3A_60 = tpu.memref_slice %arg4[%arg0, %dma_start3A_58, %dma_start3A_59] : memref<2x10240x16xf32, #tpu.memory_space<hbm>> -> memref<1x10240x16xf32, #tpu.memory_space<hbm>>
      %dma_start3A_61 = tpu.memref_squeeze %dma_start3A_60 : memref<1x10240x16xf32, #tpu.memory_space<hbm>> -> memref<10240x16xf32, #tpu.memory_space<hbm>>
      %dma_start3A_62 = arith.constant 0 : i32
      %dma_start3A_63 = tpu.memref_slice %dma_start3A_61[%add3A_52, %dma_start3A_62] : memref<10240x16xf32, #tpu.memory_space<hbm>> -> memref<128x16xf32, #tpu.memory_space<hbm>>
      tpu.enqueue_dma source(%arg7 : memref<128x16xf32, #tpu.memory_space<vmem>>) target(%dma_start3A_63 : memref<128x16xf32, #tpu.memory_space<hbm>>) target_semaphore(%run_scoped3A : memref<!tpu.dma_semaphore, #tpu.memory_space<semaphore_mem>>)
      %dma_wait3A = arith.constant 0 : i32
      %dma_wait3A_64 = arith.constant 0 : i32
      %dma_wait3A_65 = tpu.memref_slice %arg4[%arg0, %dma_wait3A, %dma_wait3A_64] : memref<2x10240x16xf32, #tpu.memory_space<hbm>> -> memref<1x10240x16xf32, #tpu.memory_space<hbm>>
      %dma_wait3A_66 = tpu.memref_squeeze %dma_wait3A_65 : memref<1x10240x16xf32, #tpu.memory_space<hbm>> -> memref<10240x16xf32, #tpu.memory_space<hbm>>
      %dma_wait3A_67 = arith.constant 0 : i32
      %dma_wait3A_68 = tpu.memref_slice %dma_wait3A_66[%add3A_52, %dma_wait3A_67] : memref<10240x16xf32, #tpu.memory_space<hbm>> -> memref<128x16xf32, #tpu.memory_space<hbm>>
      %dma_wait3A_69 = arith.constant 0 : i32
      %dma_wait3A_70 = arith.constant 0 : i32
      %dma_wait3A_71 = tpu.memref_slice %arg4[%arg0, %dma_wait3A_69, %dma_wait3A_70] : memref<2x10240x16xf32, #tpu.memory_space<hbm>> -> memref<1x10240x16xf32, #tpu.memory_space<hbm>>
      %dma_wait3A_72 = tpu.memref_squeeze %dma_wait3A_71 : memref<1x10240x16xf32, #tpu.memory_space<hbm>> -> memref<10240x16xf32, #tpu.memory_space<hbm>>
      %dma_wait3A_73 = arith.constant 0 : i32
      %dma_wait3A_74 = tpu.memref_slice %dma_wait3A_72[%add3A_52, %dma_wait3A_73] : memref<10240x16xf32, #tpu.memory_space<hbm>> -> memref<128x16xf32, #tpu.memory_space<hbm>>
      tpu.wait_dma2 semaphore(%run_scoped3A : memref<!tpu.dma_semaphore, #tpu.memory_space<semaphore_mem>>) src(%arg7 : memref<128x16xf32, #tpu.memory_space<vmem>>) dst(%dma_wait3A_74 : memref<128x16xf32, #tpu.memory_space<hbm>>)
      tpu.yield
    }) : () -> ()
    return
  }
}

module attributes {stable_mosaic.version = 14 : i64} {
  func.func @_t1_body(%arg0: i32, %arg1: memref<1024x256xf32, #tpu.memory_space<vmem>>, %arg2: memref<256x256xf32, #tpu.memory_space<vmem>>, %arg3: memref<256x256xf32, #tpu.memory_space<vmem>>, %arg4: memref<2x1024x16xf32, #tpu.memory_space<vmem>>, %arg5: memref<1024x256xf32, #tpu.memory_space<vmem>>, %arg6: memref<1024x1xf32, #tpu.memory_space<vmem>>, %arg7: memref<1024x256xf32, #tpu.memory_space<vmem>>) attributes {dimension_semantics = [#tpu.dimension_semantics<arbitrary>], iteration_bounds = array<i64: 10>, scalar_prefetch = 0 : i64, scratch_operands = 0 : i64, tpu.core_type = #tpu.core_type<tc>, window_params = [{transform_indices = @transform_0, window_bounds = array<i64: 1024, 256>}, {pipeline_mode = #tpu.pipeline_mode<synchronous>, transform_indices = @transform_1, window_bounds = array<i64: 256, 256>}, {pipeline_mode = #tpu.pipeline_mode<synchronous>, transform_indices = @transform_2, window_bounds = array<i64: 256, 256>}, {transform_indices = @transform_3, window_bounds = array<i64: 2, 1024, 16>}, {transform_indices = @transform_4, window_bounds = array<i64: 1024, 256>}, {transform_indices = @transform_5, window_bounds = array<i64: 1024, 1>}, {transform_indices = @transform_6, window_bounds = array<i64: 1024, 256>}]} {
    %get3A = arith.constant 0 : index
    %get3A_0 = arith.constant 0 : index
    %get3A_1 = arith.constant 0 : index
    %get3A_2 = vector.load %arg4[%get3A, %get3A_0, %get3A_1] : memref<2x1024x16xf32, #tpu.memory_space<vmem>>, vector<1x1024x1xf32>
    %get3A_3 = vector.shape_cast %get3A_2 : vector<1x1024x1xf32> to vector<1024x1xf32>
    %get3A_4 = arith.constant 1 : index
    %get3A_5 = arith.constant 0 : index
    %get3A_6 = arith.constant 0 : index
    %get3A_7 = vector.load %arg4[%get3A_4, %get3A_5, %get3A_6] : memref<2x1024x16xf32, #tpu.memory_space<vmem>>, vector<1x1024x1xf32>
    %get3A_8 = vector.shape_cast %get3A_7 : vector<1x1024x1xf32> to vector<1024x1xf32>
    %add3A = arith.addf %get3A_3, %get3A_8 : vector<1024x1xf32>
    %rsqrt3A = math.rsqrt %add3A : vector<1024x1xf32>
    %get3A_9 = arith.constant 0 : index
    %get3A_10 = arith.constant 0 : index
    %get3A_11 = vector.load %arg1[%get3A_9, %get3A_10] : memref<1024x256xf32, #tpu.memory_space<vmem>>, vector<1024x256xf32>
    %get3A_12 = arith.constant 0 : index
    %get3A_13 = arith.constant 0 : index
    %get3A_14 = vector.load %arg2[%get3A_12, %get3A_13] : memref<256x256xf32, #tpu.memory_space<vmem>>, vector<256x256xf32>
    %dot_general3A = arith.constant dense<0.000000e+00> : vector<1024x256xf32>
    %dot_general3A_15 = tpu.matmul %get3A_11, %get3A_14, %dot_general3A {dimension_numbers = #tpu.dot_dimension_numbers<[1], [0], [0], [1], [0, 0, 1, 1], [], []>, transpose_lhs_hint = false} : vector<1024x256xf32>, vector<256x256xf32>, vector<1024x256xf32> -> vector<1024x256xf32>
    %max3A = arith.constant 0.000000e+00 : f32
    %max3A_16 = vector.broadcast %max3A : f32 to vector<1024x256xf32>
    %max3A_17 = arith.maximumf %dot_general3A_15, %max3A_16 : vector<1024x256xf32>
    %get3A_18 = arith.constant 0 : index
    %get3A_19 = arith.constant 0 : index
    %get3A_20 = vector.load %arg3[%get3A_18, %get3A_19] : memref<256x256xf32, #tpu.memory_space<vmem>>, vector<256x256xf32>
    %dot_general3A_21 = arith.constant dense<0.000000e+00> : vector<1024x256xf32>
    %dot_general3A_22 = tpu.matmul %max3A_17, %get3A_20, %dot_general3A_21 {dimension_numbers = #tpu.dot_dimension_numbers<[1], [0], [0], [1], [0, 0, 1, 1], [], []>, transpose_lhs_hint = false} : vector<1024x256xf32>, vector<256x256xf32>, vector<1024x256xf32> -> vector<1024x256xf32>
    %mul3A = vector.broadcast %rsqrt3A : vector<1024x1xf32> to vector<1024x256xf32>
    %mul3A_23 = arith.mulf %mul3A, %dot_general3A_22 : vector<1024x256xf32>
    %swap3A = arith.constant 0 : index
    %swap3A_24 = arith.constant 0 : index
    %swap3A_25 = vector.load %arg7[%swap3A, %swap3A_24] : memref<1024x256xf32, #tpu.memory_space<vmem>>, vector<1024x256xf32>
    tpu.vector_store %arg7[%swap3A, %swap3A_24], %mul3A_23 {strides = array<i32>} : memref<1024x256xf32, #tpu.memory_space<vmem>>, vector<1024x256xf32>,
    %swap3A_26 = arith.constant 0 : index
    %swap3A_27 = arith.constant 0 : index
    %swap3A_28 = vector.load %arg5[%swap3A_26, %swap3A_27] : memref<1024x256xf32, #tpu.memory_space<vmem>>, vector<1024x256xf32>
    tpu.vector_store %arg5[%swap3A_26, %swap3A_27], %dot_general3A_15 {strides = array<i32>} : memref<1024x256xf32, #tpu.memory_space<vmem>>, vector<1024x256xf32>,
    %swap3A_29 = arith.constant 0 : index
    %swap3A_30 = arith.constant 0 : index
    %swap3A_31 = vector.load %arg6[%swap3A_29, %swap3A_30] : memref<1024x1xf32, #tpu.memory_space<vmem>>, vector<1024x1xf32>
    tpu.vector_store %arg6[%swap3A_29, %swap3A_30], %rsqrt3A {strides = array<i32>} : memref<1024x1xf32, #tpu.memory_space<vmem>>, vector<1024x1xf32>,
    return
  }
  func.func @transform_0(%arg0: i32) -> (i32, i32) {
    %c0_i32 = arith.constant 0 : i32
    %c0_i32_0 = arith.constant 0 : i32
    return %arg0, %c0_i32 : i32, i32
  }
  func.func @transform_1(%arg0: i32) -> (i32, i32) {
    %c0_i32 = arith.constant 0 : i32
    %c0_i32_0 = arith.constant 0 : i32
    %c0_i32_1 = arith.constant 0 : i32
    return %c0_i32, %c0_i32_0 : i32, i32
  }
  func.func @transform_2(%arg0: i32) -> (i32, i32) {
    %c0_i32 = arith.constant 0 : i32
    %c0_i32_0 = arith.constant 0 : i32
    %c0_i32_1 = arith.constant 0 : i32
    return %c0_i32, %c0_i32_0 : i32, i32
  }
  func.func @transform_3(%arg0: i32) -> (i32, i32, i32) {
    %c0_i32 = arith.constant 0 : i32
    %c0_i32_0 = arith.constant 0 : i32
    %c0_i32_1 = arith.constant 0 : i32
    return %c0_i32, %arg0, %c0_i32_0 : i32, i32, i32
  }
  func.func @transform_4(%arg0: i32) -> (i32, i32) {
    %c0_i32 = arith.constant 0 : i32
    %c0_i32_0 = arith.constant 0 : i32
    return %arg0, %c0_i32 : i32, i32
  }
  func.func @transform_5(%arg0: i32) -> (i32, i32) {
    %c0_i32 = arith.constant 0 : i32
    %c0_i32_0 = arith.constant 0 : i32
    return %arg0, %c0_i32 : i32, i32
  }
  func.func @transform_6(%arg0: i32) -> (i32, i32) {
    %c0_i32 = arith.constant 0 : i32
    %c0_i32_0 = arith.constant 0 : i32
    return %arg0, %c0_i32 : i32, i32
  }
}

</mosaic_0001>

<sc_bundles>
// kernel: kernel.4.cloned.1.call-start
scs
__scs_entry_jumppad:
0x0: {  	(pc) =	sbr.rel $0x88, $3  }
0x1: {  	(tag) =	ssettag $0x0;
	lr =	simm.s32 $0x1  }
0x2: {  	[smem:$0x3F9D] =	sst lr;
	_ =	strace $0xD0000000  }
0x3: {  	_ = 	snop  }
0x4: {  	_ = 	snop  }
0x5: {  	_ = 	snop  }
0x6: {  	_ = 	snop  }
0x7: {  	_ = 	snop  }
__scs_overlays_trampoline_lowered:
0x8: {  	[smem:$0x3FAC] =	sst s0  }
0x9: {  	[smem:$0x3FAD] =	sst s1  }
0xa: {  	[smem:$0x3FAE] =	sst s2  }
0xb: {  	[smem:$0x3FAF] =	sst s3  }
0xc: {  	[smem:$0x3FB0] =	sst s4  }
0xd: {  	[smem:$0x3FB1] =	sst s5  }
0xe: {  	[smem:$0x3FB2] =	sst s6  }
0xf: {  	[smem:$0x3FB3] =	sst s7  }
0x10: {  	[smem:$0x3FB4] =	sst s8  }
0x11: {  	[smem:$0x3FB5] =	sst s9;
	s0 =	simm.s32 @!p0 $0x0  }
0x12: {  	s1 =	sld [smem:$0x3F9B];
	s0 =	simm.s32 @p0 $0x1  }
0x13: {  	[smem:$0x3FB6] =	sst s0;
	s0 =	simm.s32 @!p1 $0x0  }
0x14: {  	s2 =	sld [smem:$0x3F9A];
	s0 =	simm.s32 @p1 $0x1  }
0x15: {  	[smem:$0x3FB7] =	sst s0;
	s0 =	simm.s32 @!p2 $0x0  }
0x16: {  	s3 =	sld [smem:$0x3FDB];
	s0 =	simm.s32 @p2 $0x1  }
0x17: {  	s4 =	simm.s32 $0x1BF5;
	[smem:$0x3FB9] =	sst s0  }
0x18: {  	s0 =	sld [smem:$0x3F9C];
	_ =	swait.ge [sflag:s4], $0x0  }
0x19: {  	s7 =	sld [smem:$0x3F9D]  }
0x1a: {  	s8 =	sadd.s32 $0xFFFFE003, lr  }
0x1b: {  	s9 =	sadd.s32 $0xFFFFFEF7, lr;
	s5 =	simm.s32 $0xFFFFFFFF;
	p2 =	slt.u32 s8, $0xFFFFF086  }
0x1c: {  	p1 =	slt.u32 s9, $0xF7A;
	s5 =	simm.s32 @!p2 $0x0  }
0x1d: {  	s5 =	simm.s32 @p1 $0x1;
	p0 =	seq.s32 s7, s2  }
0x1e: {  	s7 =	smul.u32 @!p0 $0xF7A, s2;
	p2 =	seq.s32 @!p0 s5, $0x0  }
0x1f: {  	s9 =	smul.u32 $0xF7A, s1;
	s8 =	simm.s32 @!p0 $0x1BF5;
	p2 =	por !p2, p0  }
0x20: {  	[sflag:s8] =	ssyncset.s32 @!p0 $0xFFFFF086;
	s6 =	sadd.s32 @!p0 s3, s7;
	s7 =	simm.s32 @!p0 $0x108  }
0x21: {  	s3 =	sadd.s32 s3, s9;
	s6 =	sadd.s32 @!p0 $0x88, s6;
	s7 =	simm.s32 @p2 $0x1082  }
0x22: {  	[simem:s7], [sflag:s8] =	dma.local @!p0 [hbm:s6], $0xF7A  }
0x23: {  	s9 =	sor.u32 $0xD0000000, s2;
	s6 =	simm.s32 $0x108;
	_ =	swait.ge @!p0 [sflag:s8], $0x0  }
0x24: {  	s3 =	sadd.s32 $0x88, s3;
	s6 =	simm.s32 @!p1 $0x1082;
	[sflag:s4] =	ssyncset.s32 $0xFFFFF086  }
0x25: {  	[simem:s6], [sflag:s4] =	dma.local [hbm:s3], $0xF7A  }
0x26: {  	[smem:$0x3F9D] =	sst s1;
	(tag) =	ssettag s2;
	_ =	strace s9  }
0x27: {  	s1 =	sld [smem:$0x3FAD]  }
0x28: {  	s2 =	sld [smem:$0x3FAE]  }
0x29: {  	s4 =	sld [smem:$0x3FB0]  }
0x2a: {  	p0 =	seq.s32 s5, $0x0;
	s5 =	sld [smem:$0x3FB1]  }
0x2b: {  	s6 =	sld [smem:$0x3FB2]  }
0x2c: {  	s7 =	sld [smem:$0x3FB3]  }
0x2d: {  	s3 =	simm.s32 $0x108;
	s8 =	sld [smem:$0x3FB4]  }
0x2e: {  	s3 =	simm.s32 @!p0 $0x1082;
	s9 =	sld [smem:$0x3FB5]  }
0x2f: {  	lr =	sadd.s32 s0, s3;
	s0 =	sld [smem:$0x3FAC]  }
0x30: {  	s3 =	sld [smem:$0x3FAF]  }
0x31: {  	[smem:$0x3FB8] =	sst s10  }
0x32: {  	s10 =	sld [smem:$0x3FB6];
	_ =	sdelay $0x3  }
0x33: {  	p0 =	seq.s32 s10, $0x1;
	s10 =	sld [smem:$0x3FB8];
	_ =	sdelay $0x3  }
0x34: {  	[smem:$0x3FB8] =	sst s10  }
0x35: {  	s10 =	sld [smem:$0x3FB7];
	_ =	sdelay $0x3  }
0x36: {  	p1 =	seq.s32 s10, $0x1;
	s10 =	sld [smem:$0x3FB8];
	_ =	sdelay $0x3  }
0x37: {  	[smem:$0x3FB8] =	sst s10  }
0x38: {  	s10 =	sld [smem:$0x3FB9]  }
0x39: {  	_ = 	snop;
	(pc) =	sbr.ind lr, $3  }
0x3a: {  	_ = 	snop  }
0x3b: {  	_ = 	snop  }
0x3c: {  	p2 =	seq.s32 s10, $0x1;
	s10 =	sld [smem:$0x3FB8]  }
0x3d: {  	_ =	shalt  }
0x3e: {  	_ =	shalt  }
0x3f: {  	_ =	shalt  }
0x40: {  	_ =	shalt  }
0x41: {  	_ =	shalt  }
0x42: {  	_ =	shalt  }
0x43: {  	_ =	shalt  }
0x44: {  	_ =	shalt  }
0x45: {  	_ =	shalt  }
0x46: {  	_ =	shalt  }
0x47: {  	_ =	shalt  }
0x48: {  	_ =	shalt  }
0x49: {  	_ =	shalt  }
0x4a: {  	_ =	shalt  }
0x4b: {  	_ =	shalt  }
0x4c: {  	_ =	shalt  }
0x4d: {  	_ =	shalt  }
0x4e: {  	_ =	shalt  }
0x4f: {  	_ =	shalt  }
0x50: {  	_ =	shalt  }
0x51: {  	_ =	shalt  }
0x52: {  	_ =	shalt  }
0x53: {  	_ =	shalt  }
0x54: {  	_ =	shalt  }
0x55: {  	_ =	shalt  }
0x56: {  	_ =	shalt  }
0x57: {  	_ =	shalt  }
0x58: {  	_ =	shalt  }
0x59: {  	_ =	shalt  }
0x5a: {  	_ =	shalt  }
0x5b: {  	_ =	shalt  }
0x5c: {  	_ =	shalt  }
0x5d: {  	_ =	shalt  }
0x5e: {  	_ =	shalt  }
0x5f: {  	_ =	shalt  }
0x60: {  	_ =	shalt  }
0x61: {  	_ =	shalt  }
0x62: {  	_ =	shalt  }
0x63: {  	_ =	shalt  }
0x64: {  	_ =	shalt  }
0x65: {  	_ =	shalt  }
0x66: {  	_ =	shalt  }
0x67: {  	_ =	shalt  }
0x68: {  	_ =	shalt  }
0x69: {  	_ =	shalt  }
0x6a: {  	_ =	shalt  }
0x6b: {  	_ =	shalt  }
0x6c: {  	_ =	shalt  }
0x6d: {  	_ =	shalt  }
0x6e: {  	_ =	shalt  }
0x6f: {  	_ =	shalt  }
0x70: {  	_ =	shalt  }
0x71: {  	_ =	shalt  }
0x72: {  	_ =	shalt  }
0x73: {  	_ =	shalt  }
0x74: {  	_ =	shalt  }
0x75: {  	_ =	shalt  }
0x76: {  	_ =	shalt  }
0x77: {  	_ =	shalt  }
0x78: {  	_ =	shalt  }
0x79: {  	_ =	shalt  }
0x7a: {  	_ =	shalt  }
0x7b: {  	_ =	shalt  }
0x7c: {  	_ =	shalt  }
0x7d: {  	_ =	shalt  }
0x7e: {  	_ =	shalt  }
0x7f: {  	_ =	shalt  }
0x80: {  	_ =	shalt  }
0x81: {  	_ =	shalt  }
0x82: {  	_ =	shalt  }
0x83: {  	_ =	shalt  }
0x84: {  	_ =	shalt  }
0x85: {  	_ =	shalt  }
0x86: {  	_ =	shalt  }
0x87: {  	_ =	shalt  }
.Lfunc_end0:
.L_simem_size_0:
called_computation_lowered:
.L_overlay_start_0:
0x88: {  	s2 =	sld [smem:$0x3FD9]  }
0x89: {  	s3 =	sld [smem:$0x3FFE];
	_ =	sdelay $0x1  }
0x8a: {  	s1 =	srdreg.scid  }
0x8b: {  	s0 =	sand.u32 $0x1, s1  }
0x8c: {  	s17 =	sshll.u32 s0, $0xA;
	s2 =	sadd.s32 s3, s2  }
0x8d: {  	s2 =	sadd.s32 s2, s17  }
0x8e: {  	[smem:$0x3FC4] =	sst s2  }
0x8f: {  	_ = 	snop  }
0x90: {  	s2 =	sld [smem:$0x3FD0];
	(tm) =	ssettm $0x1  }
0x91: {  	s18 =	sld [smem:$0x3FFB];
	_ =	sdelay $0x3  }
0x92: {  	_ =	strace s18  }
0x93: {  	s3 =	sld [smem:$0x3FFC];
	_ =	sdelay $0x3  }
0x94: {  	_ =	strace s3  }
0x95: {  	s3 =	sld [smem:$0x3FFD];
	_ =	sdelay $0x3  }
0x96: {  	_ =	strace s3  }
0x97: {  	_ =	strace $0x8FFFFFFF  }
0x98: {  	s19 =	sld [smem:$0x3FDB];
	_ =	sdelay $0x1  }
0x99: {  	s4 =	simm.s32 $_scs_section_size  }
0x9a: {  	s5 =	simm.s32 $_size__tile_overlayer_lowered;
	s6 =	simm.s32 $_tile_overlayer_lowered  }
0x9b: {  	s22 =	simm.s32 $0x1BFF;
	s21 =	sshll.u32 s6, $0x1;
	s3 =	sadd.s32 s4, s19  }
0x9c: {  	s7 =	simm.s32 $0x0;
	s20 =	sshll.u32 s5, $0x1;
	s5 =	sadd.s32 s21, s3  }
0x9d: {  	[timem:s7], [sflag:s22] =	dma.local [hbm:s5], s20  }
0x9e: {  	_ =	swait.ge [sflag:s22], s20  }
0x9f: {  	s4 =	ssub.s32 $0x0, s20;
	[sflag:s22] =	ssyncset.done $0x0  }
0xa0: {  	[sflag:s22] =	ssyncadd.s32 s4;
	_ =	sdelay $0x1  }
0xa1: {  	s23 =	simm.s32 $0x1B8B  }
0xa2: {  	_ =	swait.ge [sflag:s23], $0x1  }
0xa3: {  	[sflag:s23] =	ssyncset.done $0x0  }
0xa4: {  	s25 =	simm.s32 $0x1B8E;
	s24 =	sld [smem:$0x3FFE];
	[sflag:s23] =	ssyncadd.s32 $0xFFFFFFFF  }
0xa5: {  	s26 =	simm.s32 $execute0_lowered;
	[smem:$0x3FD2] =	sst s25  }
0xa6: {  	s5 =	sshll.u32 s26, $0x1;
	_ =	strace $0x80000046;
	[dreg:$0x1] =	wrdreg $0xFFFFFFFF  }
0xa7: {  	s28 =	simm.s32 $_size_execute0_lowered;
	s3 =	sadd.s32 s3, s5;
	[dreg:$0x0] =	wrdreg $0x0  }
0xa8: {  	s5 =	sshll.u32 s28, $0x1;
	[dreg:$0x2] =	wrdreg s3  }
0xa9: {  	[dreg:$0x3] =	wrdreg s5  }
0xaa: {  	[dreg:$0x4] =	wrdreg $0xC0  }
0xab: {  	_ =	task [dreg:s7], $0x5FFFF  }
0xac: {  	[dreg:$0x1] =	wrdreg $0xFFFFFFFF  }
0xad: {  	[dreg:$0x0] =	wrdreg $0x60  }
0xae: {  	[dreg:$0x2] =	wrdreg s24  }
0xaf: {  	[dreg:$0x3] =	wrdreg s2  }
0xb0: {  	[dreg:$0x4] =	wrdreg $0xA8000  }
0xb1: {  	[dreg:$0x5] =	wrdreg $0x9  }
0xb2: {  	_ =	task.clear_ibuf [dreg:s7], $0x6FFFF;
	_ =	strace $0x90000046  }
0xb3: {  	s29 =	simm.s32 $0x9;
	_ =	strace $0x80000048  }
0xb4: {  	_ =	swait.ge [sflag:s29], $0x1  }
0xb5: {  	[sflag:s29] =	ssyncadd.s32 $0xFFFFFFFF  }
0xb6: {  	_ =	strace $0x90000048  }
0xb7: {  	_ =	sfence  }
0xb8: {  	s30 =	sld [smem:$0x0];
	_ =	sdelay $0x2  }
0xb9: {  	s31 =	sshll.u32 s1, $0xD;
	s1 =	sshrl.u32 s1, $0x2  }
0xba: {  	s3 =	sand.u32 $0x4000, s31;
	s1 =	sadd.s32 s1, s30  }
0xbb: {  	s0 =	sor.u32 s3, s0;
	s1 =	sshll.u32 s1, $0x11  }
0xbc: {  	s0 =	sor.u32 s1, s0  }
0xbd: {  	s0 =	sadd.s32 $0x8F2B, s0  }
0xbe: {  	[sflag:s0] =	ssyncadd.remote.s32 $0x1  }
0xbf: {  	_ =	sfence.sel $0xFFFF  }
0xc0: {  	[dreg:$0x0] =	wrdreg $0xFFFFFFFF;
	(pc) =	sbr.abs _section_cstart, $3  }
0xc1: {  	[dreg:$0x1] =	wrdreg $0xFFFFFFFF  }
0xc2: {  	_ =	task.clear_ibuf [dreg:s7], $0x2FFFF;
	_ =	strace $0x9FFFFFFF  }
0xc3: {  	(tm) =	ssettm $0x7FFFFFFF  }
tec
execute0_lowered:
.L_overlay_start_1:
0x0: {  	(tag) =	ssettag $0x1  }
0x1: {  	s6 =	rddreg [dreg:$0x0]  }
0x2: {  	s1 =	rddreg [dreg:$0x1]  }
0x3: {  	s0 =	srdreg.scid;
	s3 =	rddreg [dreg:$0x2]  }
0x4: {  	s2 =	stileid.u32;
	s4 =	simm.s32 $0x0;
	s25 =	simm.s32 $0x2800  }
0x5: {  	s26 =	simm.s32 $0x6800;
	s28 =	simm.s32 $0x80;
	s7 =	smul.u32 $0x500, s2  }
0x6: {  	s20 =	sand.u32 $0x1, s0;
	s0 =	rddreg [dreg:$0x3];
	s16 =	smul.u32 $0x280, s2  }
0x7: {  	s29 =	simm.s32 $0x0;
	[smem:$0x7FF] =	sst s4;
	s10 =	smul.u32 $0x50000, s2  }
0x8: {  	s5 =	smul.u32 $0x28000, s20;
	s8 =	ssub.s32 $0x2, s20;
	_ =	strace $0x80000047  }
0x9: {  	s24 =	smul.u32 $0x5000, s20;
	s9 =	sshrl.u32 s8, $0x1;
	s31 =	sshrl.u32 s10, $0x2  }
0xa: {  	s11 =	sadd.s32 $0x80, s16;
	s13 =	sadd.s32 $0x100, s16;
	s17 =	sadd.s32 $0x180, s16  }
0xb: {  	s23 =	sadd.s32 $0x200, s16;
	s21 =	sadd.s32 s5, s6;
	s22 =	ssub.s32 s8, s9  }
0xc: {  	s5 =	smul.u32 $0x2800, s2;
	s6 =	sadd.s32 s6, s7;
	s8 =	sadd.s32 s31, s3  }
0xd: {  	s9 =	sshll.u32 s11, $0x4;
	s11 =	sshll.u32 s11, $0x7;
	s12 =	sshll.u32 s13, $0x4  }
0xe: {  	s14 =	sshll.u32 s13, $0x7;
	s15 =	sshll.u32 s17, $0x4;
	s17 =	sshll.u32 s17, $0x7  }
0xf: {  	s18 =	sshll.u32 s23, $0x4;
	s23 =	sshll.u32 s23, $0x7;
	s10 =	sadd.s32 s1, s9  }
0x10: {  	s11 =	sadd.s32 s11, s3;
	s13 =	sadd.s32 s1, s12;
	s14 =	sadd.s32 s14, s3  }
0x11: {  	s16 =	sadd.s32 s1, s15;
	s17 =	sadd.s32 s17, s3;
	s19 =	sadd.s32 s1, s18  }
0x12: {  	s20 =	sadd.s32 s23, s3;
	s21 =	sadd.s32 $0x5000, s21;
	s22 =	smax.u32 s22, $0x1  }
0x13: {  	s23 =	sshrl.u32 s24, $0x2;
	s24 =	simm.s32 $0x1;
	s7 =	sadd.s32 s1, s5  }
.LBB2_1:
0x14: {  	[tilespmem:s4], [sflag:$0x1] =	stream.linear.gather [hbm4b:s6+s4], $0x2800, $0x38;
	[tilespmem:$0xD000] =	vst v63  }
0x15: {  	_ =	swait.ge [sflag:s24], $0x2800  }
0x16: {  	[sflag:s24] =	ssyncset.done $0x0  }
0x17: {  	[sflag:s24] =	ssyncadd.s32 $0xFFFFD800  }
0x18: {  	[tilespmem:s25], [sflag:$0x1] =	stream.linear.gather [hbm4b:s1+s4], $0x4000, $0x38;
	[tilespmem:$0xD000] =	vst v63  }
0x19: {  	_ =	swait.ge [sflag:s24], $0x4000  }
0x1a: {  	[sflag:s24] =	ssyncset.done $0x0  }
0x1b: {  	[sflag:s24] =	ssyncadd.s32 $0xFFFFC000  }
0x1c: {  	[tilespmem:s26], [sflag:$0x1] =	stream.linear.gather [hbm4b:s7+s4], $0x4000, $0x38;
	[tilespmem:$0xD000] =	vst v63  }
0x1d: {  	_ =	swait.ge [sflag:s24], $0x4000  }
0x1e: {  	[sflag:s24] =	ssyncset.done $0x0  }
0x1f: {  	[sflag:s24] =	ssyncadd.s32 $0xFFFFC000  }
0x20: {  	[spmem:s8] =	stream.linear.scatter [tilespmem:s26], [sflag:$0x1], $0x4000, $0x38;
	[tilespmem:$0xD000] =	vst v63  }
0x21: {  	_ =	swait.ge [sflag:s24], $0x4000  }
0x22: {  	[sflag:s24] =	ssyncset.done $0x0  }
0x23: {  	[sflag:s24] =	ssyncadd.s32 $0xFFFFC000  }
0x24: {  	[tilespmem:s26], [sflag:$0x1] =	stream.linear.gather [hbm4b:s10+s4], $0x4000, $0x38;
	[tilespmem:$0xD000] =	vst v63  }
0x25: {  	_ =	swait.ge [sflag:s24], $0x4000  }
0x26: {  	[sflag:s24] =	ssyncset.done $0x0  }
0x27: {  	[sflag:s24] =	ssyncadd.s32 $0xFFFFC000  }
0x28: {  	[spmem:s11] =	stream.linear.scatter [tilespmem:s26], [sflag:$0x1], $0x4000, $0x38;
	[tilespmem:$0xD000] =	vst v63  }
0x29: {  	_ =	swait.ge [sflag:s24], $0x4000  }
0x2a: {  	[sflag:s24] =	ssyncset.done $0x0  }
0x2b: {  	[sflag:s24] =	ssyncadd.s32 $0xFFFFC000  }
0x2c: {  	[tilespmem:s26], [sflag:$0x1] =	stream.linear.gather [hbm4b:s13+s4], $0x4000, $0x38;
	[tilespmem:$0xD000] =	vst v63  }
0x2d: {  	_ =	swait.ge [sflag:s24], $0x4000  }
0x2e: {  	[sflag:s24] =	ssyncset.done $0x0  }
0x2f: {  	[sflag:s24] =	ssyncadd.s32 $0xFFFFC000  }
0x30: {  	[spmem:s14] =	stream.linear.scatter [tilespmem:s26], [sflag:$0x1], $0x4000, $0x38;
	[tilespmem:$0xD000] =	vst v63  }
0x31: {  	_ =	swait.ge [sflag:s24], $0x4000  }
0x32: {  	[sflag:s24] =	ssyncset.done $0x0  }
0x33: {  	[sflag:s24] =	ssyncadd.s32 $0xFFFFC000  }
0x34: {  	[tilespmem:s26], [sflag:$0x1] =	stream.linear.gather [hbm4b:s16+s4], $0x4000, $0x38;
	[tilespmem:$0xD000] =	vst v63  }
0x35: {  	_ =	swait.ge [sflag:s24], $0x4000  }
0x36: {  	[sflag:s24] =	ssyncset.done $0x0  }
0x37: {  	[sflag:s24] =	ssyncadd.s32 $0xFFFFC000  }
0x38: {  	[spmem:s17] =	stream.linear.scatter [tilespmem:s26], [sflag:$0x1], $0x4000, $0x38;
	[tilespmem:$0xD000] =	vst v63  }
0x39: {  	_ =	swait.ge [sflag:s24], $0x4000  }
0x3a: {  	[sflag:s24] =	ssyncset.done $0x0  }
0x3b: {  	[sflag:s24] =	ssyncadd.s32 $0xFFFFC000  }
0x3c: {  	[tilespmem:s26], [sflag:$0x1] =	stream.linear.gather [hbm4b:s19+s4], $0x4000, $0x38;
	[tilespmem:$0xD000] =	vst v63  }
0x3d: {  	_ =	swait.ge [sflag:s24], $0x4000  }
0x3e: {  	[sflag:s24] =	ssyncset.done $0x0  }
0x3f: {  	[sflag:s24] =	ssyncadd.s32 $0xFFFFC000  }
0x40: {  	[spmem:s20] =	stream.linear.scatter [tilespmem:s26], [sflag:$0x1], $0x4000, $0x38;
	[tilespmem:$0xD000] =	vst v63  }
0x41: {  	_ =	swait.ge [sflag:s24], $0x4000  }
0x42: {  	[sflag:s24] =	ssyncset.done $0x0  }
0x43: {  	[sflag:s24] =	ssyncadd.s32 $0xFFFFC000  }
0x44: {  	s30 =	sadd.s32 $0x0, s23;
	[bflag:$0x0] =	sbarrier.arrive $0xFFFF  }
0x45: {  	[spmem:s3] =	stream.indirect.scatter.add.f32 [tilespmem:s25], [sflag:$0x1], $0x10, s30, s28, $0xb8;
	[tilespmem:$0xD000] =	vst v63  }
0x46: {  	s30 =	simm.s32 $0x200;
	_ =	swait.ge [sflag:s24], $0x800  }
.LBB2_2:
0x47: {  	s31 =	sshra.s32 s30, $0x2;
	[sflag:s24] =	ssyncset.done $0x0;
	p0 =	sne.s32 s30, $0x4E00  }
.Ltmp0:
0x48: {  	s31 =	sadd.s32 s31, s23;
	[sflag:s24] =	ssyncadd.s32 $0xFFFFF800;
	(pc) =	sbr.rel @p0 .LBB2_2-.Ltmp0, $3  }
0x49: {  	[spmem:s3] =	stream.indirect.scatter.add.f32 [tilespmem:s25], [sflag:$0x1], $0x10, s31, s28, $0xb8;
	[tilespmem:$0xD000] =	vst v63  }
0x4a: {  	s30 =	sadd.s32 $0x200, s30;
	_ =	sdelay $0x1  }
0x4b: {  	_ =	swait.ge [sflag:s24], $0x800  }
0x4c: {  	[sflag:s24] =	ssyncset.done $0x0  }
0x4d: {  	[sflag:s24] =	ssyncadd.s32 $0xFFFFF800  }
0x4e: {  	[bflag:$0x0] =	sbarrier.arrive $0xFFFF  }
0x4f: {  	[tilespmem:s26], [sflag:$0x1] =	stream.linear.gather [spmem:s8], $0x4000, $0x38;
	[tilespmem:$0xD000] =	vst v63  }
0x50: {  	_ =	swait.ge [sflag:s24], $0x4000  }
0x51: {  	[sflag:s24] =	ssyncset.done $0x0  }
0x52: {  	s30 =	sadd.s32 s5, s21;
	[sflag:s24] =	ssyncadd.s32 $0xFFFFC000  }
0x53: {  	[hbm4b:s30+s4] =	stream.linear.scatter [tilespmem:s26], [sflag:$0x1], $0x4000, $0x38;
	[tilespmem:$0xD000] =	vst v63  }
0x54: {  	_ =	swait.ge [sflag:s24], $0x4000  }
0x55: {  	[sflag:s24] =	ssyncset.done $0x0  }
0x56: {  	[sflag:s24] =	ssyncadd.s32 $0xFFFFC000  }
0x57: {  	[tilespmem:s26], [sflag:$0x1] =	stream.linear.gather [spmem:s11], $0x4000, $0x38;
	[tilespmem:$0xD000] =	vst v63  }
0x58: {  	_ =	swait.ge [sflag:s24], $0x4000  }
0x59: {  	[sflag:s24] =	ssyncset.done $0x0  }
0x5a: {  	s31 =	sadd.s32 s9, s21;
	[sflag:s24] =	ssyncadd.s32 $0xFFFFC000  }
0x5b: {  	[hbm4b:s31+s4] =	stream.linear.scatter [tilespmem:s26], [sflag:$0x1], $0x4000, $0x38;
	[tilespmem:$0xD000] =	vst v63  }
0x5c: {  	_ =	swait.ge [sflag:s24], $0x4000  }
0x5d: {  	[sflag:s24] =	ssyncset.done $0x0  }
0x5e: {  	[sflag:s24] =	ssyncadd.s32 $0xFFFFC000  }
0x5f: {  	[tilespmem:s26], [sflag:$0x1] =	stream.linear.gather [spmem:s14], $0x4000, $0x38;
	[tilespmem:$0xD000] =	vst v63  }
0x60: {  	_ =	swait.ge [sflag:s24], $0x4000  }
0x61: {  	[sflag:s24] =	ssyncset.done $0x0  }
0x62: {  	s31 =	sadd.s32 s12, s21;
	[sflag:s24] =	ssyncadd.s32 $0xFFFFC000  }
0x63: {  	[hbm4b:s31+s4] =	stream.linear.scatter [tilespmem:s26], [sflag:$0x1], $0x4000, $0x38;
	[tilespmem:$0xD000] =	vst v63  }
0x64: {  	_ =	swait.ge [sflag:s24], $0x4000  }
0x65: {  	[sflag:s24] =	ssyncset.done $0x0  }
0x66: {  	[sflag:s24] =	ssyncadd.s32 $0xFFFFC000  }
0x67: {  	[tilespmem:s26], [sflag:$0x1] =	stream.linear.gather [spmem:s17], $0x4000, $0x38;
	[tilespmem:$0xD000] =	vst v63  }
0x68: {  	_ =	swait.ge [sflag:s24], $0x4000  }
0x69: {  	[sflag:s24] =	ssyncset.done $0x0  }
0x6a: {  	s31 =	sadd.s32 s15, s21;
	[sflag:s24] =	ssyncadd.s32 $0xFFFFC000  }
0x6b: {  	[hbm4b:s31+s4] =	stream.linear.scatter [tilespmem:s26], [sflag:$0x1], $0x4000, $0x38;
	[tilespmem:$0xD000] =	vst v63  }
0x6c: {  	_ =	swait.ge [sflag:s24], $0x4000  }
0x6d: {  	[sflag:s24] =	ssyncset.done $0x0  }
0x6e: {  	[sflag:s24] =	ssyncadd.s32 $0xFFFFC000  }
0x6f: {  	[tilespmem:s26], [sflag:$0x1] =	stream.linear.gather [spmem:s20], $0x4000, $0x38;
	[tilespmem:$0xD000] =	vst v63  }
0x70: {  	s29 =	sadd.s32 $0x1, s29;
	_ =	swait.ge [sflag:s24], $0x4000  }
0x71: {  	p0 =	sne.s32 s29, s22;
	[sflag:s24] =	ssyncset.done $0x0  }
.Ltmp1:
0x72: {  	s31 =	sadd.s32 s18, s21;
	[sflag:s24] =	ssyncadd.s32 $0xFFFFC000;
	(pc) =	sbr.rel @p0 .LBB2_1-.Ltmp1, $4  }
0x73: {  	[hbm4b:s31+s4] =	stream.linear.scatter [tilespmem:s26], [sflag:$0x1], $0x4000, $0x38;
	[tilespmem:$0xD000] =	vst v63  }
0x74: {  	_ =	swait.ge [sflag:s24], $0x4000  }
0x75: {  	[sflag:s24] =	ssyncset.done $0x0  }
0x76: {  	[sflag:s24] =	ssyncadd.s32 $0xFFFFC000  }
0x77: {  	_ =	sfence.sel $0x180000  }
0x78: {  	[bflag:$0x0] =	sbarrier.arrive $0xFFFF  }
0x79: {  	p0 =	sne.s32 s2, $0x0;
	_ =	strace $0x90000047  }
0x7a: {  	s0 =	sadd.s32 @!p0 $0x100000, s0;
	[bflag:$0x2] =	sbarrier.arrive $0xFFFF  }
0x7b: {  	[sflag:s0] =	ssyncadd.tile.s32 @!p0 $0x1;
	_ =	shalt  }
.Lfunc_end2:
_tile_overlayer_lowered:
.L_overlay_start_2:
0x7c: {  	(tag) =	ssettag $0x2  }
0x7d: {  	s0 =	rddreg [dreg:$0x0];
	s2 =	stileid.u32  }
0x7e: {  	s1 =	rddreg [dreg:$0x1];
	p0 =	sne.s32 s2, $0x0  }
0x7f: {  	s3 =	rddreg [dreg:$0x2];
	[bflag:$0x3] =	sbarrier.arrive $0xFFFF;
	s2 =	simm.s32 @!p0 $0x1C01  }
0x80: {  	[timem:s3], [sflag:s2] =	dma.local @!p0 [hbm:s0], s1  }
0x81: {  	s0 =	simm.s32 @!p0 $0x1  }
0x82: {  	_ =	swait.ge @!p0 [sflag:s0], s1  }
0x83: {  	s1 =	ssub.s32 @!p0 $0x0, s1;
	[sflag:s0] =	ssyncset.done @!p0 $0x0  }
0x84: {  	[sflag:s0] =	ssyncadd.s32 @!p0 s1  }
0x85: {  	[bflag:$0x3] =	sbarrier.arrive $0xFFFF  }
0x86: {  	_ =	shalt  }

</sc_bundles>
